<compile_context>
chip_gen: v7x
topology: tpu7x:2x2x1
jax: 0.10.2.dev20260603
libtpu: 0.0.44.dev20260713+nightly
codegen_flags: <defaults>
</compile_context>

<pallas_src>
import functools

import numpy as np
import jax
import jax.numpy as jnp
from jax import lax
from jax.experimental import pallas as pl
from jax.experimental.pallas import tpu as pltpu
from jax.experimental.pallas import tpu_sc as plsc

NX, NY, NZ = 128, 128, 64
N = NX * NY * NZ
VOX = 0.04

ROWS, LANES, RB = 8192, 128, 512
MAGIC = np.float32(12582912.0)

NC, NS, L = 2, 16, 16
NW = NC * NS

CPG = 4
GROUPS = 8
SEGS = NW // GROUPS
SEG = N // SEGS

WPAD = 161
HW_IMG = 120 * WPAD
HW_PAD = 19336
SENTINEL = HW_IMG

CHUNK = 4096
VECS = CHUNK // L
UNROLL = 8
NCHUNKS = SEG // CHUNK


def _tc_index(W, H, params_ref, linm_ref, valid_ref):
    i = pl.program_id(0)
    r = lax.broadcasted_iota(jnp.int32, (RB, LANES), 0)
    lcol = lax.broadcasted_iota(jnp.int32, (RB, LANES), 1)
    n = (i * RB + r) * LANES + lcol
    iy = n & (NY - 1)
    iz = (n >> 7) & (NZ - 1)
    ix = n >> 13
    ox, oy, oz = params_ref[12], params_ref[13], params_ref[14]
    wx = ix.astype(jnp.float32) * VOX + ox
    wy = iy.astype(jnp.float32) * VOX + oy
    wz = iz.astype(jnp.float32) * VOX + oz
    wxb = wx.astype(jnp.bfloat16).astype(jnp.float32)
    wyb = wy.astype(jnp.bfloat16).astype(jnp.float32)
    wzb = wz.astype(jnp.bfloat16).astype(jnp.float32)
    p = [params_ref[j] for j in range(12)]
    cx = ((p[0] * wxb + p[1] * wyb) + p[2] * wzb) + p[3]
    cy = ((p[4] * wxb + p[5] * wyb) + p[6] * wzb) + p[7]
    cz = ((p[8] * wxb + p[9] * wyb) + p[10] * wzb) + p[11]
    qx = cx / cz
    qy = cy / cz
    xr = (qx + MAGIC) - MAGIC
    yr = (qy + MAGIC) - MAGIC
    xi = xr.astype(jnp.int32)
    yi = yr.astype(jnp.int32)
    valid = ((xi >= 0) & (yi >= 0) & (xi < W) & (yi < H)
             & (cz > jnp.float32(0.0)))
    xc = jnp.minimum(jnp.maximum(xi, 0), W - 1)
    yc = jnp.minimum(jnp.maximum(yi, 0), H - 1)
    lin = yc * WPAD + xc
    linm_ref[...] = jnp.where(valid, lin, SENTINEL)
    valid_ref[...] = valid


def _sc_gather(feat_hbm, linm_hbm, vol_hbm,
               t0_v, t1_v, t2_v, t3_v, idx_a, idx_b, out_a, out_b,
               sem_i, sem_oa, sem_ob):
    wid = lax.axis_index("s") * NC + lax.axis_index("c")
    group = wid % GROUPS
    seg = wid // GROUPS
    tables = [t0_v, t1_v, t2_v, t3_v]
    idx_bufs = (idx_a, idx_b)
    out_bufs = (out_a, out_b)
    out_sems = (sem_oa, sem_ob)

    for j in range(CPG):
        c = group * CPG + j
        pltpu.sync_copy(feat_hbm.at[pl.ds(c * HW_IMG, HW_IMG)],
                        tables[j].at[pl.ds(0, HW_IMG)])
        tables[j][pl.ds(HW_IMG, HW_PAD - HW_IMG)] = jnp.zeros(
            (HW_PAD - HW_IMG,), jnp.float32)

    seg_base = seg * SEG
    pltpu.async_copy(linm_hbm.at[pl.ds(seg_base, CHUNK)], idx_a, sem_i)

    def _dst(c, ci):
        base = seg_base + ci * CHUNK
        return vol_hbm.at[pl.ds(c * N + base, CHUNK)]

    def pair_body(ci0, _):
        for b in (0, 1):
            ci = ci0 * 2 + b
            base = seg_base + ci * CHUNK
            ib, ob, so = idx_bufs[b], out_bufs[b], out_sems[b]
            pltpu.make_async_copy(
                linm_hbm.at[pl.ds(base, CHUNK)], ib, sem_i).wait()

            @pl.when(ci < NCHUNKS - 1)
            def _():
                pltpu.async_copy(
                    linm_hbm.at[pl.ds(base + CHUNK, CHUNK)],
                    idx_bufs[1 - b], sem_i)

            @pl.when(ci >= 2)
            def _():
                for j in range(CPG):
                    c = group * CPG + j
                    pltpu.make_async_copy(
                        ob.at[j], _dst(c, ci - 2), so).wait()

            @plsc.parallel_loop(0, VECS, step=1, unroll=UNROLL)
            def _(vi):
                sl = pl.ds(vi * L, L)
                linv = ib[sl]
                for j in range(CPG):
                    ob[j, sl] = plsc.load_gather(tables[j], [linv])

            for j in range(CPG):
                c = group * CPG + j
                pltpu.async_copy(ob.at[j], _dst(c, ci), so)
        return 0

    lax.fori_loop(0, NCHUNKS // 2, pair_body, 0)

    for ci in (NCHUNKS - 2, NCHUNKS - 1):
        b = ci % 2
        for j in range(CPG):
            c = group * CPG + j
            pltpu.make_async_copy(
                out_bufs[b].at[j], _dst(c, ci), out_sems[b]).wait()


def kernel(features, projection, origin):
    B, C, H, W = features.shape

    table = jnp.pad(features.reshape(C, H, W), ((0, 0), (0, 0), (0, WPAD - W)))

    pb = projection.reshape(-1).astype(jnp.bfloat16).astype(jnp.float32)
    params = jnp.concatenate([
        pb, origin.reshape(-1).astype(jnp.float32),
        jnp.zeros((1,), jnp.float32)])

    linm, valid = pl.pallas_call(
        functools.partial(_tc_index, W, H),
        grid=(ROWS // RB,),
        in_specs=[pl.BlockSpec(memory_space=pltpu.SMEM)],
        out_specs=[pl.BlockSpec((RB, LANES), lambda i: (i, 0)),
                   pl.BlockSpec((RB, LANES), lambda i: (i, 0))],
        out_shape=[jax.ShapeDtypeStruct((ROWS, LANES), jnp.int32),
                   jax.ShapeDtypeStruct((ROWS, LANES), jnp.bool_)],
    )(params)

    mesh = plsc.VectorSubcoreMesh(core_axis_name="c", subcore_axis_name="s")
    vol_flat = pl.kernel(
        _sc_gather,
        out_type=jax.ShapeDtypeStruct((C * N,), jnp.float32),
        mesh=mesh,
        compiler_params=pltpu.CompilerParams(needs_layout_passes=False),
        scratch_types=[
            pltpu.VMEM((HW_PAD,), jnp.float32),
            pltpu.VMEM((HW_PAD,), jnp.float32),
            pltpu.VMEM((HW_PAD,), jnp.float32),
            pltpu.VMEM((HW_PAD,), jnp.float32),
            pltpu.VMEM((CHUNK,), jnp.int32),
            pltpu.VMEM((CHUNK,), jnp.int32),
            pltpu.VMEM((CPG, CHUNK), jnp.float32),
            pltpu.VMEM((CPG, CHUNK), jnp.float32),
            pltpu.SemaphoreType.DMA,
            pltpu.SemaphoreType.DMA,
            pltpu.SemaphoreType.DMA,
        ],
    )(table.reshape(C * HW_IMG), linm.reshape(-1))

    volume = jnp.transpose(
        vol_flat.reshape(B, C, NX, NZ, NY), (0, 1, 2, 4, 3))
    valid_vol = jnp.transpose(
        valid.reshape(B, 1, NX, NZ, NY), (0, 1, 2, 4, 3))
    return volume, valid_vol

# --- scband reference (transcript-rebuilt; emitter-appended) ---
"""Pipeline reference for scband-atlas-ray-marching-65317862638174 (READ-ONLY COPY).

The authoritative reference and input builder live on the scoring server;
editing this copy changes nothing except your own understanding.
"""

import jax, jax.numpy as jnp
import numpy as np

VOXEL_DIM = (128, 128, 64)
VOXEL_SIZE = 0.04
ORIGIN = np.array([-2.56, -2.56, 0.5], dtype=np.float32)


def setup_inputs(seed: int = 0) -> dict:
    key = jax.random.key(seed)
    B, C, H, W = 1, 32, 120, 160
    features = jax.random.normal(jax.random.fold_in(key, 0), (B, C, H, W), dtype=jnp.float32)
    # Realistic projection = intrinsics @ extrinsics, already divided by backbone2d_stride=4
    fx = 144.0
    fy = 144.0
    cx = W / 2.0
    cy = H / 2.0
    K = np.array([[fx, 0.0, cx], [0.0, fy, cy], [0.0, 0.0, 1.0]], dtype=np.float32)
    projs = []
    for b in range(B):
        E = np.concatenate([np.eye(3, dtype=np.float32), np.array([[0.1 * b], [0.0], [0.0]], dtype=np.float32)], axis=1)
        projs.append(K @ E)
    projection = jnp.asarray(np.stack(projs, axis=0))
    origin = jnp.broadcast_to(jnp.asarray(ORIGIN)[None, :], (B, 3))
    return {"features": features, "projection": projection, "origin": origin}


def reference(features, projection, origin):
    # Faithful jax translation of backproject(): fill voxels along camera rays
    # with the 2D feature of the pixel each voxel projects to.
    B, C, H, W = features.shape
    nx, ny, nz = VOXEL_DIM
    N = nx * ny * nz
    gx, gy, gz = jnp.meshgrid(jnp.arange(nx), jnp.arange(ny), jnp.arange(nz), indexing='ij')
    coords = jnp.stack([gx.ravel(), gy.ravel(), gz.ravel()], axis=0).astype(features.dtype)  # [3, N]
    world = coords[None, :, :] * VOXEL_SIZE + origin[:, :, None]  # [B, 3, N]
    world = jnp.concatenate([world, jnp.ones_like(world[:, :1])], axis=1)  # [B, 4, N]
    camera = jnp.einsum('bij,bjn->bin', projection, world)  # [B, 3, N]
    px = jnp.round(camera[:, 0, :] / camera[:, 2, :]).astype(jnp.int32)
    py = jnp.round(camera[:, 1, :] / camera[:, 2, :]).astype(jnp.int32)
    pz = camera[:, 2, :]
    valid = (px >= 0) & (py >= 0) & (px < W) & (py < H) & (pz > 0)  # [B, N]
    pxc = jnp.clip(px, 0, W - 1)
    pyc = jnp.clip(py, 0, H - 1)
    lin = pyc * W + pxc  # [B, N]
    feat_flat = features.reshape(B, C, H * W)
    idx = jnp.broadcast_to(lin[:, None, :], (B, C, N))
    gathered = jnp.take_along_axis(feat_flat, idx, axis=2)  # [B, C, N]
    volume = jnp.where(valid[:, None, :], gathered, jnp.zeros((), features.dtype))
    volume = volume.reshape(B, C, nx, ny, nz)
    valid_vol = valid.reshape(B, 1, nx, ny, nz)
    return volume, valid_vol

if __name__ == "__main__":
    import jax
    _d = setup_inputs()
    print(jax.jit(kernel)(*tuple(_d.values())))

</pallas_src>

<mosaic_0001>
#map = affine_map<(d0, d1) -> (0)>
module attributes {stable_mosaic.version = 14 : i64} {
  func.func @_sc_gather(%arg0: i32, %arg1: i32, %arg2: memref<618240xf32, #tpu.memory_space<hbm>>, %arg3: memref<1048576xi32, #tpu.memory_space<hbm>>, %arg4: memref<33554432xf32, #tpu.memory_space<hbm>>, %arg5: memref<19336xf32, #tpu.memory_space<vmem>>, %arg6: memref<19336xf32, #tpu.memory_space<vmem>>, %arg7: memref<19336xf32, #tpu.memory_space<vmem>>, %arg8: memref<19336xf32, #tpu.memory_space<vmem>>, %arg9: memref<4096xi32, #tpu.memory_space<vmem>>, %arg10: memref<4096xi32, #tpu.memory_space<vmem>>, %arg11: memref<4x4096xf32, #tpu.memory_space<vmem>>, %arg12: memref<4x4096xf32, #tpu.memory_space<vmem>>, %arg13: memref<!tpu.dma_semaphore, #tpu.memory_space<semaphore_mem>>, %arg14: memref<!tpu.dma_semaphore, #tpu.memory_space<semaphore_mem>>, %arg15: memref<!tpu.dma_semaphore, #tpu.memory_space<semaphore_mem>>) attributes {dimension_semantics = [#tpu.dimension_semantics<core_parallel>, #tpu.dimension_semantics<subcore_parallel>], iteration_bounds = array<i64: 2, 16>, scalar_prefetch = 0 : i64, scratch_operands = 11 : i64, tpu.core_type = #tpu.core_type<sc_vector_subcore>, window_params = [{transform_indices = #map}, {transform_indices = #map}, {transform_indices = #map}]} {
    %mul3A = arith.constant 2 : i32
    %mul3A_0 = arith.muli %arg1, %mul3A : i32
    %add3A = arith.addi %mul3A_0, %arg0 : i32
    %jit3A = arith.constant 8 : i32
    %eq3A = arith.constant 0 : i32
    %eq3A_1 = arith.cmpi eq, %jit3A, %eq3A : i32
    %jit3A_2 = arith.constant 1 : i32
    %select_n3A = arith.select %eq3A_1, %jit3A_2, %jit3A : i32
    %rem3A = arith.remsi %add3A, %select_n3A : i32
    %ne3A = arith.constant 0 : i32
    %ne3A_3 = arith.cmpi ne, %rem3A, %ne3A : i32
    %lt3A = arith.constant 0 : i32
    %lt3A_4 = arith.cmpi slt, %rem3A, %lt3A : i32
    %lt3A_5 = arith.constant 0 : i32
    %lt3A_6 = arith.cmpi slt, %select_n3A, %lt3A_5 : i32
    %ne3A_7 = arith.xori %lt3A_4, %lt3A_6 : i1
    %and3A = arith.andi %ne3A_7, %ne3A_3 : i1
    %add3A_8 = arith.addi %rem3A, %select_n3A : i32
    %select_n3A_9 = arith.select %and3A, %add3A_8, %rem3A : i32
    %jit3A_10 = arith.constant 8 : i32
    %div3A = arith.divsi %add3A, %jit3A_10 : i32
    %sign3A = arith.constant 0 : i32
    %sign3A_11 = arith.cmpi sgt, %add3A, %sign3A : i32
    %sign3A_12 = arith.extui %sign3A_11 : i1 to i32
    %sign3A_13 = arith.constant 0 : i32
    %sign3A_14 = arith.cmpi slt, %add3A, %sign3A_13 : i32
    %sign3A_15 = arith.extui %sign3A_14 : i1 to i32
    %sign3A_16 = arith.subi %sign3A_12, %sign3A_15 : i32
    %sign3A_17 = arith.constant 0 : i32
    %sign3A_18 = arith.cmpi sgt, %jit3A_10, %sign3A_17 : i32
    %sign3A_19 = arith.extui %sign3A_18 : i1 to i32
    %sign3A_20 = arith.constant 0 : i32
    %sign3A_21 = arith.cmpi slt, %jit3A_10, %sign3A_20 : i32
    %sign3A_22 = arith.extui %sign3A_21 : i1 to i32
    %sign3A_23 = arith.subi %sign3A_19, %sign3A_22 : i32
    %ne3A_24 = arith.cmpi ne, %sign3A_16, %sign3A_23 : i32
    %rem3A_25 = arith.remsi %add3A, %jit3A_10 : i32
    %ne3A_26 = arith.constant 0 : i32
    %ne3A_27 = arith.cmpi ne, %rem3A_25, %ne3A_26 : i32
    %and3A_28 = arith.andi %ne3A_24, %ne3A_27 : i1
    %sub3A = arith.constant 1 : i32
    %sub3A_29 = arith.subi %div3A, %sub3A : i32
    %select_n3A_30 = arith.select %and3A_28, %sub3A_29, %div3A : i32
    %mul3A_31 = arith.constant 4 : i32
    %mul3A_32 = arith.muli %select_n3A_9, %mul3A_31 : i32
    %add3A_33 = arith.constant 0 : i32
    %add3A_34 = arith.addi %mul3A_32, %add3A_33 : i32
    %mul3A_35 = arith.constant 19320 : i32
    %mul3A_36 = arith.muli %add3A_34, %mul3A_35 : i32
    "tpu.region"() ({
      %run_scoped3A = tpu.sem_alloc : memref<!tpu.dma_semaphore, #tpu.memory_space<semaphore_mem>>
      %dma_start3A_221 = arith.constant 0 : i32
      %dma_start3A_222 = tpu.memref_slice %arg5[%dma_start3A_221] : memref<19336xf32, #tpu.memory_space<vmem>> -> memref<19320xf32, #tpu.memory_space<vmem>>
      %dma_start3A_223 = tpu.memref_slice %arg2[%mul3A_36] : memref<618240xf32, #tpu.memory_space<hbm>> -> memref<19320xf32, #tpu.memory_space<hbm>>
      %dma_start3A_224 = arith.constant 0 : i32
      %dma_start3A_225 = tpu.memref_slice %arg5[%dma_start3A_224] : memref<19336xf32, #tpu.memory_space<vmem>> -> memref<19320xf32, #tpu.memory_space<vmem>>
      %dma_start3A_226 = tpu.memref_slice %arg2[%mul3A_36] : memref<618240xf32, #tpu.memory_space<hbm>> -> memref<19320xf32, #tpu.memory_space<hbm>>
      tpu.enqueue_dma source(%dma_start3A_226 : memref<19320xf32, #tpu.memory_space<hbm>>) target(%dma_start3A_225 : memref<19320xf32, #tpu.memory_space<vmem>>) target_semaphore(%run_scoped3A : memref<!tpu.dma_semaphore, #tpu.memory_space<semaphore_mem>>)
      %dma_wait3A_227 = arith.constant 0 : i32
      %dma_wait3A_228 = tpu.memref_slice %arg5[%dma_wait3A_227] : memref<19336xf32, #tpu.memory_space<vmem>> -> memref<19320xf32, #tpu.memory_space<vmem>>
      %dma_wait3A_229 = tpu.memref_slice %arg2[%mul3A_36] : memref<618240xf32, #tpu.memory_space<hbm>> -> memref<19320xf32, #tpu.memory_space<hbm>>
      %dma_wait3A_230 = arith.constant 0 : i32
      %dma_wait3A_231 = tpu.memref_slice %arg5[%dma_wait3A_230] : memref<19336xf32, #tpu.memory_space<vmem>> -> memref<19320xf32, #tpu.memory_space<vmem>>
      %dma_wait3A_232 = tpu.memref_slice %arg2[%mul3A_36] : memref<618240xf32, #tpu.memory_space<hbm>> -> memref<19320xf32, #tpu.memory_space<hbm>>
      tpu.wait_dma2 semaphore(%run_scoped3A : memref<!tpu.dma_semaphore, #tpu.memory_space<semaphore_mem>>) src(%dma_wait3A_232 : memref<19320xf32, #tpu.memory_space<hbm>>) dst(%dma_wait3A_231 : memref<19320xf32, #tpu.memory_space<vmem>>)
      tpu.yield
    }) : () -> ()
    %broadcast_in_dim3A = arith.constant 0.000000e+00 : f32
    %broadcast_in_dim3A_37 = vector.broadcast %broadcast_in_dim3A : f32 to vector<16xf32>
    %swap3A = arith.constant 19320 : index
    %swap3A_38 = tpu.vector_load %arg5[%swap3A] {strides = array<i32>} : memref<19336xf32, #tpu.memory_space<vmem>>, vector<16xf32>,
    tpu.vector_store %arg5[%swap3A], %broadcast_in_dim3A_37 {strides = array<i32>} : memref<19336xf32, #tpu.memory_space<vmem>>, vector<16xf32>,
    %mul3A_39 = arith.constant 4 : i32
    %mul3A_40 = arith.muli %select_n3A_9, %mul3A_39 : i32
    %add3A_41 = arith.constant 1 : i32
    %add3A_42 = arith.addi %mul3A_40, %add3A_41 : i32
    %mul3A_43 = arith.constant 19320 : i32
    %mul3A_44 = arith.muli %add3A_42, %mul3A_43 : i32
    "tpu.region"() ({
      %run_scoped3A = tpu.sem_alloc : memref<!tpu.dma_semaphore, #tpu.memory_space<semaphore_mem>>
      %dma_start3A_221 = arith.constant 0 : i32
      %dma_start3A_222 = tpu.memref_slice %arg6[%dma_start3A_221] : memref<19336xf32, #tpu.memory_space<vmem>> -> memref<19320xf32, #tpu.memory_space<vmem>>
      %dma_start3A_223 = tpu.memref_slice %arg2[%mul3A_44] : memref<618240xf32, #tpu.memory_space<hbm>> -> memref<19320xf32, #tpu.memory_space<hbm>>
      %dma_start3A_224 = arith.constant 0 : i32
      %dma_start3A_225 = tpu.memref_slice %arg6[%dma_start3A_224] : memref<19336xf32, #tpu.memory_space<vmem>> -> memref<19320xf32, #tpu.memory_space<vmem>>
      %dma_start3A_226 = tpu.memref_slice %arg2[%mul3A_44] : memref<618240xf32, #tpu.memory_space<hbm>> -> memref<19320xf32, #tpu.memory_space<hbm>>
      tpu.enqueue_dma source(%dma_start3A_226 : memref<19320xf32, #tpu.memory_space<hbm>>) target(%dma_start3A_225 : memref<19320xf32, #tpu.memory_space<vmem>>) target_semaphore(%run_scoped3A : memref<!tpu.dma_semaphore, #tpu.memory_space<semaphore_mem>>)
      %dma_wait3A_227 = arith.constant 0 : i32
      %dma_wait3A_228 = tpu.memref_slice %arg6[%dma_wait3A_227] : memref<19336xf32, #tpu.memory_space<vmem>> -> memref<19320xf32, #tpu.memory_space<vmem>>
      %dma_wait3A_229 = tpu.memref_slice %arg2[%mul3A_44] : memref<618240xf32, #tpu.memory_space<hbm>> -> memref<19320xf32, #tpu.memory_space<hbm>>
      %dma_wait3A_230 = arith.constant 0 : i32
      %dma_wait3A_231 = tpu.memref_slice %arg6[%dma_wait3A_230] : memref<19336xf32, #tpu.memory_space<vmem>> -> memref<19320xf32, #tpu.memory_space<vmem>>
      %dma_wait3A_232 = tpu.memref_slice %arg2[%mul3A_44] : memref<618240xf32, #tpu.memory_space<hbm>> -> memref<19320xf32, #tpu.memory_space<hbm>>
      tpu.wait_dma2 semaphore(%run_scoped3A : memref<!tpu.dma_semaphore, #tpu.memory_space<semaphore_mem>>) src(%dma_wait3A_232 : memref<19320xf32, #tpu.memory_space<hbm>>) dst(%dma_wait3A_231 : memref<19320xf32, #tpu.memory_space<vmem>>)
      tpu.yield
    }) : () -> ()
    %broadcast_in_dim3A_45 = arith.constant 0.000000e+00 : f32
    %broadcast_in_dim3A_46 = vector.broadcast %broadcast_in_dim3A_45 : f32 to vector<16xf32>
    %swap3A_47 = arith.constant 19320 : index
    %swap3A_48 = tpu.vector_load %arg6[%swap3A_47] {strides = array<i32>} : memref<19336xf32, #tpu.memory_space<vmem>>, vector<16xf32>,
    tpu.vector_store %arg6[%swap3A_47], %broadcast_in_dim3A_46 {strides = array<i32>} : memref<19336xf32, #tpu.memory_space<vmem>>, vector<16xf32>,
    %mul3A_49 = arith.constant 4 : i32
    %mul3A_50 = arith.muli %select_n3A_9, %mul3A_49 : i32
    %add3A_51 = arith.constant 2 : i32
    %add3A_52 = arith.addi %mul3A_50, %add3A_51 : i32
    %mul3A_53 = arith.constant 19320 : i32
    %mul3A_54 = arith.muli %add3A_52, %mul3A_53 : i32
    "tpu.region"() ({
      %run_scoped3A = tpu.sem_alloc : memref<!tpu.dma_semaphore, #tpu.memory_space<semaphore_mem>>
      %dma_start3A_221 = arith.constant 0 : i32
      %dma_start3A_222 = tpu.memref_slice %arg7[%dma_start3A_221] : memref<19336xf32, #tpu.memory_space<vmem>> -> memref<19320xf32, #tpu.memory_space<vmem>>
      %dma_start3A_223 = tpu.memref_slice %arg2[%mul3A_54] : memref<618240xf32, #tpu.memory_space<hbm>> -> memref<19320xf32, #tpu.memory_space<hbm>>
      %dma_start3A_224 = arith.constant 0 : i32
      %dma_start3A_225 = tpu.memref_slice %arg7[%dma_start3A_224] : memref<19336xf32, #tpu.memory_space<vmem>> -> memref<19320xf32, #tpu.memory_space<vmem>>
      %dma_start3A_226 = tpu.memref_slice %arg2[%mul3A_54] : memref<618240xf32, #tpu.memory_space<hbm>> -> memref<19320xf32, #tpu.memory_space<hbm>>
      tpu.enqueue_dma source(%dma_start3A_226 : memref<19320xf32, #tpu.memory_space<hbm>>) target(%dma_start3A_225 : memref<19320xf32, #tpu.memory_space<vmem>>) target_semaphore(%run_scoped3A : memref<!tpu.dma_semaphore, #tpu.memory_space<semaphore_mem>>)
      %dma_wait3A_227 = arith.constant 0 : i32
      %dma_wait3A_228 = tpu.memref_slice %arg7[%dma_wait3A_227] : memref<19336xf32, #tpu.memory_space<vmem>> -> memref<19320xf32, #tpu.memory_space<vmem>>
      %dma_wait3A_229 = tpu.memref_slice %arg2[%mul3A_54] : memref<618240xf32, #tpu.memory_space<hbm>> -> memref<19320xf32, #tpu.memory_space<hbm>>
      %dma_wait3A_230 = arith.constant 0 : i32
      %dma_wait3A_231 = tpu.memref_slice %arg7[%dma_wait3A_230] : memref<19336xf32, #tpu.memory_space<vmem>> -> memref<19320xf32, #tpu.memory_space<vmem>>
      %dma_wait3A_232 = tpu.memref_slice %arg2[%mul3A_54] : memref<618240xf32, #tpu.memory_space<hbm>> -> memref<19320xf32, #tpu.memory_space<hbm>>
      tpu.wait_dma2 semaphore(%run_scoped3A : memref<!tpu.dma_semaphore, #tpu.memory_space<semaphore_mem>>) src(%dma_wait3A_232 : memref<19320xf32, #tpu.memory_space<hbm>>) dst(%dma_wait3A_231 : memref<19320xf32, #tpu.memory_space<vmem>>)
      tpu.yield
    }) : () -> ()
    %broadcast_in_dim3A_55 = arith.constant 0.000000e+00 : f32
    %broadcast_in_dim3A_56 = vector.broadcast %broadcast_in_dim3A_55 : f32 to vector<16xf32>
    %swap3A_57 = arith.constant 19320 : index
    %swap3A_58 = tpu.vector_load %arg7[%swap3A_57] {strides = array<i32>} : memref<19336xf32, #tpu.memory_space<vmem>>, vector<16xf32>,
    tpu.vector_store %arg7[%swap3A_57], %broadcast_in_dim3A_56 {strides = array<i32>} : memref<19336xf32, #tpu.memory_space<vmem>>, vector<16xf32>,
    %mul3A_59 = arith.constant 4 : i32
    %mul3A_60 = arith.muli %select_n3A_9, %mul3A_59 : i32
    %add3A_61 = arith.constant 3 : i32
    %add3A_62 = arith.addi %mul3A_60, %add3A_61 : i32
    %mul3A_63 = arith.constant 19320 : i32
    %mul3A_64 = arith.muli %add3A_62, %mul3A_63 : i32
    "tpu.region"() ({
      %run_scoped3A = tpu.sem_alloc : memref<!tpu.dma_semaphore, #tpu.memory_space<semaphore_mem>>
      %dma_start3A_221 = arith.constant 0 : i32
      %dma_start3A_222 = tpu.memref_slice %arg8[%dma_start3A_221] : memref<19336xf32, #tpu.memory_space<vmem>> -> memref<19320xf32, #tpu.memory_space<vmem>>
      %dma_start3A_223 = tpu.memref_slice %arg2[%mul3A_64] : memref<618240xf32, #tpu.memory_space<hbm>> -> memref<19320xf32, #tpu.memory_space<hbm>>
      %dma_start3A_224 = arith.constant 0 : i32
      %dma_start3A_225 = tpu.memref_slice %arg8[%dma_start3A_224] : memref<19336xf32, #tpu.memory_space<vmem>> -> memref<19320xf32, #tpu.memory_space<vmem>>
      %dma_start3A_226 = tpu.memref_slice %arg2[%mul3A_64] : memref<618240xf32, #tpu.memory_space<hbm>> -> memref<19320xf32, #tpu.memory_space<hbm>>
      tpu.enqueue_dma source(%dma_start3A_226 : memref<19320xf32, #tpu.memory_space<hbm>>) target(%dma_start3A_225 : memref<19320xf32, #tpu.memory_space<vmem>>) target_semaphore(%run_scoped3A : memref<!tpu.dma_semaphore, #tpu.memory_space<semaphore_mem>>)
      %dma_wait3A_227 = arith.constant 0 : i32
      %dma_wait3A_228 = tpu.memref_slice %arg8[%dma_wait3A_227] : memref<19336xf32, #tpu.memory_space<vmem>> -> memref<19320xf32, #tpu.memory_space<vmem>>
      %dma_wait3A_229 = tpu.memref_slice %arg2[%mul3A_64] : memref<618240xf32, #tpu.memory_space<hbm>> -> memref<19320xf32, #tpu.memory_space<hbm>>
      %dma_wait3A_230 = arith.constant 0 : i32
      %dma_wait3A_231 = tpu.memref_slice %arg8[%dma_wait3A_230] : memref<19336xf32, #tpu.memory_space<vmem>> -> memref<19320xf32, #tpu.memory_space<vmem>>
      %dma_wait3A_232 = tpu.memref_slice %arg2[%mul3A_64] : memref<618240xf32, #tpu.memory_space<hbm>> -> memref<19320xf32, #tpu.memory_space<hbm>>
      tpu.wait_dma2 semaphore(%run_scoped3A : memref<!tpu.dma_semaphore, #tpu.memory_space<semaphore_mem>>) src(%dma_wait3A_232 : memref<19320xf32, #tpu.memory_space<hbm>>) dst(%dma_wait3A_231 : memref<19320xf32, #tpu.memory_space<vmem>>)
      tpu.yield
    }) : () -> ()
    %broadcast_in_dim3A_65 = arith.constant 0.000000e+00 : f32
    %broadcast_in_dim3A_66 = vector.broadcast %broadcast_in_dim3A_65 : f32 to vector<16xf32>
    %swap3A_67 = arith.constant 19320 : index
    %swap3A_68 = tpu.vector_load %arg8[%swap3A_67] {strides = array<i32>} : memref<19336xf32, #tpu.memory_space<vmem>>, vector<16xf32>,
    tpu.vector_store %arg8[%swap3A_67], %broadcast_in_dim3A_66 {strides = array<i32>} : memref<19336xf32, #tpu.memory_space<vmem>>, vector<16xf32>,
    %mul3A_69 = arith.constant 262144 : i32
    %mul3A_70 = arith.muli %select_n3A_30, %mul3A_69 : i32
    %dma_start3A = tpu.memref_slice %arg3[%mul3A_70] : memref<1048576xi32, #tpu.memory_space<hbm>> -> memref<4096xi32, #tpu.memory_space<hbm>>
    %dma_start3A_71 = tpu.memref_slice %arg3[%mul3A_70] : memref<1048576xi32, #tpu.memory_space<hbm>> -> memref<4096xi32, #tpu.memory_space<hbm>>
    tpu.enqueue_dma source(%dma_start3A_71 : memref<4096xi32, #tpu.memory_space<hbm>>) target(%arg9 : memref<4096xi32, #tpu.memory_space<vmem>>) target_semaphore(%arg13 : memref<!tpu.dma_semaphore, #tpu.memory_space<semaphore_mem>>)
    %scan3A = arith.constant 0 : i32
    %scan3A_72 = arith.constant 0 : i32
    %scan3A_73 = arith.constant 32 : i32
    %scan3A_74 = arith.addi %scan3A_72, %scan3A_73 : i32
    %scan3A_75 = arith.constant 1 : i32
    %scan3A_76 = scf.for %scan3A_221 = %scan3A_72 to %scan3A_74 step %scan3A_75 iter_args(%scan3A_222 = %scan3A) -> (i32)  : i32 {
      %mul3A_223 = arith.constant 2 : i32
      %mul3A_224 = arith.muli %scan3A_221, %mul3A_223 : i32
      %add3A_225 = arith.constant 0 : i32
      %add3A_226 = arith.addi %mul3A_224, %add3A_225 : i32
      %mul3A_227 = arith.constant 4096 : i32
      %mul3A_228 = arith.muli %add3A_226, %mul3A_227 : i32
      %add3A_229 = arith.addi %mul3A_70, %mul3A_228 : i32
      %dma_wait3A_230 = tpu.memref_slice %arg3[%add3A_229] : memref<1048576xi32, #tpu.memory_space<hbm>> -> memref<4096xi32, #tpu.memory_space<hbm>>
      %dma_wait3A_231 = tpu.memref_slice %arg3[%add3A_229] : memref<1048576xi32, #tpu.memory_space<hbm>> -> memref<4096xi32, #tpu.memory_space<hbm>>
      tpu.wait_dma2 semaphore(%arg13 : memref<!tpu.dma_semaphore, #tpu.memory_space<semaphore_mem>>) src(%dma_wait3A_231 : memref<4096xi32, #tpu.memory_space<hbm>>) dst(%arg9 : memref<4096xi32, #tpu.memory_space<vmem>>)
      %lt3A_232 = arith.constant 63 : i32
      %lt3A_233 = arith.cmpi slt, %add3A_226, %lt3A_232 : i32
      %convert_element_type3A = arith.extui %lt3A_233 : i1 to i32
      %cond3A = arith.constant 0 : i32
      %cond3A_234 = arith.cmpi ne, %convert_element_type3A, %cond3A : i32
      scf.if %cond3A_234 {
        %add3A_416 = arith.constant 4096 : i32
        %add3A_417 = arith.addi %add3A_229, %add3A_416 : i32
        %dma_start3A_418 = tpu.memref_slice %arg3[%add3A_417] : memref<1048576xi32, #tpu.memory_space<hbm>> -> memref<4096xi32, #tpu.memory_space<hbm>>
        %dma_start3A_419 = tpu.memref_slice %arg3[%add3A_417] : memref<1048576xi32, #tpu.memory_space<hbm>> -> memref<4096xi32, #tpu.memory_space<hbm>>
        tpu.enqueue_dma source(%dma_start3A_419 : memref<4096xi32, #tpu.memory_space<hbm>>) target(%arg10 : memref<4096xi32, #tpu.memory_space<vmem>>) target_semaphore(%arg13 : memref<!tpu.dma_semaphore, #tpu.memory_space<semaphore_mem>>)
      } else {
      }
      %ge3A = arith.constant 2 : i32
      %ge3A_235 = arith.cmpi sge, %add3A_226, %ge3A : i32
      %convert_element_type3A_236 = arith.extui %ge3A_235 : i1 to i32
      %cond3A_237 = arith.constant 0 : i32
      %cond3A_238 = arith.cmpi ne, %convert_element_type3A_236, %cond3A_237 : i32
      scf.if %cond3A_238 {
        %mul3A_416 = arith.constant 4 : i32
        %mul3A_417 = arith.muli %select_n3A_9, %mul3A_416 : i32
        %add3A_418 = arith.constant 0 : i32
        %add3A_419 = arith.addi %mul3A_417, %add3A_418 : i32
        %sub3A_420 = arith.constant 2 : i32
        %sub3A_421 = arith.subi %add3A_226, %sub3A_420 : i32
        %mul3A_422 = arith.constant 4096 : i32
        %mul3A_423 = arith.muli %sub3A_421, %mul3A_422 : i32
        %add3A_424 = arith.addi %mul3A_70, %mul3A_423 : i32
        %mul3A_425 = arith.constant 1048576 : i32
        %mul3A_426 = arith.muli %add3A_419, %mul3A_425 : i32
        %add3A_427 = arith.addi %mul3A_426, %add3A_424 : i32
        %dma_wait3A_428 = arith.constant 0 : i32
        %dma_wait3A_429 = arith.constant 0 : i32
        %dma_wait3A_430 = tpu.memref_slice %arg11[%dma_wait3A_428, %dma_wait3A_429] : memref<4x4096xf32, #tpu.memory_space<vmem>> -> memref<1x4096xf32, #tpu.memory_space<vmem>>
        %dma_wait3A_431 = tpu.memref_squeeze %dma_wait3A_430 : memref<1x4096xf32, #tpu.memory_space<vmem>> -> memref<4096xf32, #tpu.memory_space<vmem>>
        %dma_wait3A_432 = tpu.memref_slice %arg4[%add3A_427] : memref<33554432xf32, #tpu.memory_space<hbm>> -> memref<4096xf32, #tpu.memory_space<hbm>>
        %dma_wait3A_433 = tpu.memref_slice %arg4[%add3A_427] : memref<33554432xf32, #tpu.memory_space<hbm>> -> memref<4096xf32, #tpu.memory_space<hbm>>
        %dma_wait3A_434 = arith.constant 0 : i32
        %dma_wait3A_435 = tpu.memref_slice %arg11[%dma_wait3A_428, %dma_wait3A_434] : memref<4x4096xf32, #tpu.memory_space<vmem>> -> memref<1x4096xf32, #tpu.memory_space<vmem>>
        %dma_wait3A_436 = tpu.memref_squeeze %dma_wait3A_435 : memref<1x4096xf32, #tpu.memory_space<vmem>> -> memref<4096xf32, #tpu.memory_space<vmem>>
        tpu.wait_dma2 semaphore(%arg14 : memref<!tpu.dma_semaphore, #tpu.memory_space<semaphore_mem>>) src(%dma_wait3A_436 : memref<4096xf32, #tpu.memory_space<vmem>>) dst(%dma_wait3A_433 : memref<4096xf32, #tpu.memory_space<hbm>>)
        %mul3A_437 = arith.constant 4 : i32
        %mul3A_438 = arith.muli %select_n3A_9, %mul3A_437 : i32
        %add3A_439 = arith.constant 1 : i32
        %add3A_440 = arith.addi %mul3A_438, %add3A_439 : i32
        %sub3A_441 = arith.constant 2 : i32
        %sub3A_442 = arith.subi %add3A_226, %sub3A_441 : i32
        %mul3A_443 = arith.constant 4096 : i32
        %mul3A_444 = arith.muli %sub3A_442, %mul3A_443 : i32
        %add3A_445 = arith.addi %mul3A_70, %mul3A_444 : i32
        %mul3A_446 = arith.constant 1048576 : i32
        %mul3A_447 = arith.muli %add3A_440, %mul3A_446 : i32
        %add3A_448 = arith.addi %mul3A_447, %add3A_445 : i32
        %dma_wait3A_449 = arith.constant 1 : i32
        %dma_wait3A_450 = arith.constant 0 : i32
        %dma_wait3A_451 = tpu.memref_slice %arg11[%dma_wait3A_449, %dma_wait3A_450] : memref<4x4096xf32, #tpu.memory_space<vmem>> -> memref<1x4096xf32, #tpu.memory_space<vmem>>
        %dma_wait3A_452 = tpu.memref_squeeze %dma_wait3A_451 : memref<1x4096xf32, #tpu.memory_space<vmem>> -> memref<4096xf32, #tpu.memory_space<vmem>>
        %dma_wait3A_453 = tpu.memref_slice %arg4[%add3A_448] : memref<33554432xf32, #tpu.memory_space<hbm>> -> memref<4096xf32, #tpu.memory_space<hbm>>
        %dma_wait3A_454 = tpu.memref_slice %arg4[%add3A_448] : memref<33554432xf32, #tpu.memory_space<hbm>> -> memref<4096xf32, #tpu.memory_space<hbm>>
        %dma_wait3A_455 = arith.constant 0 : i32
        %dma_wait3A_456 = tpu.memref_slice %arg11[%dma_wait3A_449, %dma_wait3A_455] : memref<4x4096xf32, #tpu.memory_space<vmem>> -> memref<1x4096xf32, #tpu.memory_space<vmem>>
        %dma_wait3A_457 = tpu.memref_squeeze %dma_wait3A_456 : memref<1x4096xf32, #tpu.memory_space<vmem>> -> memref<4096xf32, #tpu.memory_space<vmem>>
        tpu.wait_dma2 semaphore(%arg14 : memref<!tpu.dma_semaphore, #tpu.memory_space<semaphore_mem>>) src(%dma_wait3A_457 : memref<4096xf32, #tpu.memory_space<vmem>>) dst(%dma_wait3A_454 : memref<4096xf32, #tpu.memory_space<hbm>>)
        %mul3A_458 = arith.constant 4 : i32
        %mul3A_459 = arith.muli %select_n3A_9, %mul3A_458 : i32
        %add3A_460 = arith.constant 2 : i32
        %add3A_461 = arith.addi %mul3A_459, %add3A_460 : i32
        %sub3A_462 = arith.constant 2 : i32
        %sub3A_463 = arith.subi %add3A_226, %sub3A_462 : i32
        %mul3A_464 = arith.constant 4096 : i32
        %mul3A_465 = arith.muli %sub3A_463, %mul3A_464 : i32
        %add3A_466 = arith.addi %mul3A_70, %mul3A_465 : i32
        %mul3A_467 = arith.constant 1048576 : i32
        %mul3A_468 = arith.muli %add3A_461, %mul3A_467 : i32
        %add3A_469 = arith.addi %mul3A_468, %add3A_466 : i32
        %dma_wait3A_470 = arith.constant 2 : i32
        %dma_wait3A_471 = arith.constant 0 : i32
        %dma_wait3A_472 = tpu.memref_slice %arg11[%dma_wait3A_470, %dma_wait3A_471] : memref<4x4096xf32, #tpu.memory_space<vmem>> -> memref<1x4096xf32, #tpu.memory_space<vmem>>
        %dma_wait3A_473 = tpu.memref_squeeze %dma_wait3A_472 : memref<1x4096xf32, #tpu.memory_space<vmem>> -> memref<4096xf32, #tpu.memory_space<vmem>>
        %dma_wait3A_474 = tpu.memref_slice %arg4[%add3A_469] : memref<33554432xf32, #tpu.memory_space<hbm>> -> memref<4096xf32, #tpu.memory_space<hbm>>
        %dma_wait3A_475 = tpu.memref_slice %arg4[%add3A_469] : memref<33554432xf32, #tpu.memory_space<hbm>> -> memref<4096xf32, #tpu.memory_space<hbm>>
        %dma_wait3A_476 = arith.constant 0 : i32
        %dma_wait3A_477 = tpu.memref_slice %arg11[%dma_wait3A_470, %dma_wait3A_476] : memref<4x4096xf32, #tpu.memory_space<vmem>> -> memref<1x4096xf32, #tpu.memory_space<vmem>>
        %dma_wait3A_478 = tpu.memref_squeeze %dma_wait3A_477 : memref<1x4096xf32, #tpu.memory_space<vmem>> -> memref<4096xf32, #tpu.memory_space<vmem>>
        tpu.wait_dma2 semaphore(%arg14 : memref<!tpu.dma_semaphore, #tpu.memory_space<semaphore_mem>>) src(%dma_wait3A_478 : memref<4096xf32, #tpu.memory_space<vmem>>) dst(%dma_wait3A_475 : memref<4096xf32, #tpu.memory_space<hbm>>)
        %mul3A_479 = arith.constant 4 : i32
        %mul3A_480 = arith.muli %select_n3A_9, %mul3A_479 : i32
        %add3A_481 = arith.constant 3 : i32
        %add3A_482 = arith.addi %mul3A_480, %add3A_481 : i32
        %sub3A_483 = arith.constant 2 : i32
        %sub3A_484 = arith.subi %add3A_226, %sub3A_483 : i32
        %mul3A_485 = arith.constant 4096 : i32
        %mul3A_486 = arith.muli %sub3A_484, %mul3A_485 : i32
        %add3A_487 = arith.addi %mul3A_70, %mul3A_486 : i32
        %mul3A_488 = arith.constant 1048576 : i32
        %mul3A_489 = arith.muli %add3A_482, %mul3A_488 : i32
        %add3A_490 = arith.addi %mul3A_489, %add3A_487 : i32
        %dma_wait3A_491 = arith.constant 3 : i32
        %dma_wait3A_492 = arith.constant 0 : i32
        %dma_wait3A_493 = tpu.memref_slice %arg11[%dma_wait3A_491, %dma_wait3A_492] : memref<4x4096xf32, #tpu.memory_space<vmem>> -> memref<1x4096xf32, #tpu.memory_space<vmem>>
        %dma_wait3A_494 = tpu.memref_squeeze %dma_wait3A_493 : memref<1x4096xf32, #tpu.memory_space<vmem>> -> memref<4096xf32, #tpu.memory_space<vmem>>
        %dma_wait3A_495 = tpu.memref_slice %arg4[%add3A_490] : memref<33554432xf32, #tpu.memory_space<hbm>> -> memref<4096xf32, #tpu.memory_space<hbm>>
        %dma_wait3A_496 = tpu.memref_slice %arg4[%add3A_490] : memref<33554432xf32, #tpu.memory_space<hbm>> -> memref<4096xf32, #tpu.memory_space<hbm>>
        %dma_wait3A_497 = arith.constant 0 : i32
        %dma_wait3A_498 = tpu.memref_slice %arg11[%dma_wait3A_491, %dma_wait3A_497] : memref<4x4096xf32, #tpu.memory_space<vmem>> -> memref<1x4096xf32, #tpu.memory_space<vmem>>
        %dma_wait3A_499 = tpu.memref_squeeze %dma_wait3A_498 : memref<1x4096xf32, #tpu.memory_space<vmem>> -> memref<4096xf32, #tpu.memory_space<vmem>>
        tpu.wait_dma2 semaphore(%arg14 : memref<!tpu.dma_semaphore, #tpu.memory_space<semaphore_mem>>) src(%dma_wait3A_499 : memref<4096xf32, #tpu.memory_space<vmem>>) dst(%dma_wait3A_496 : memref<4096xf32, #tpu.memory_space<hbm>>)
      } else {
      }
      %parallel_loop3A = arith.constant 0 : i32
      %parallel_loop3A_239 = arith.constant 256 : i32
      %parallel_loop3A_240 = arith.constant 1 : i32
      scf.for %parallel_loop3A_416 = %parallel_loop3A to %parallel_loop3A_239 step %parallel_loop3A_240  : i32 {
        %parallel_loop3A_417 = arith.constant 16 : i32
        %parallel_loop3A_418 = arith.muli %parallel_loop3A_416, %parallel_loop3A_417 : i32
        %parallel_loop3A_419 = arith.index_cast %parallel_loop3A_418 : i32 to index
        %parallel_loop3A_420 = tpu.vector_load %arg9[%parallel_loop3A_419] {strides = array<i32>} : memref<4096xi32, #tpu.memory_space<vmem>>, vector<16xi32>,
        %parallel_loop3A_421 = tpu.vector_load_idx %arg5[%parallel_loop3A_420] : memref<19336xf32, #tpu.memory_space<vmem>>[vector<16xi32>], vector<16xf32>,
        %parallel_loop3A_422 = arith.constant 0 : i32
        %parallel_loop3A_423 = arith.index_cast %parallel_loop3A_422 : i32 to index
        %parallel_loop3A_424 = arith.index_cast %parallel_loop3A_418 : i32 to index
        %parallel_loop3A_425 = tpu.vector_load %arg11[%parallel_loop3A_423, %parallel_loop3A_424] {strides = array<i32>} : memref<4x4096xf32, #tpu.memory_space<vmem>>, vector<16xf32>,
        tpu.vector_store %arg11[%parallel_loop3A_423, %parallel_loop3A_424], %parallel_loop3A_421 {strides = array<i32>} : memref<4x4096xf32, #tpu.memory_space<vmem>>, vector<16xf32>,
        %parallel_loop3A_426 = tpu.vector_load_idx %arg6[%parallel_loop3A_420] : memref<19336xf32, #tpu.memory_space<vmem>>[vector<16xi32>], vector<16xf32>,
        %parallel_loop3A_427 = arith.constant 1 : i32
        %parallel_loop3A_428 = arith.index_cast %parallel_loop3A_427 : i32 to index
        %parallel_loop3A_429 = arith.index_cast %parallel_loop3A_418 : i32 to index
        %parallel_loop3A_430 = tpu.vector_load %arg11[%parallel_loop3A_428, %parallel_loop3A_429] {strides = array<i32>} : memref<4x4096xf32, #tpu.memory_space<vmem>>, vector<16xf32>,
        tpu.vector_store %arg11[%parallel_loop3A_428, %parallel_loop3A_429], %parallel_loop3A_426 {strides = array<i32>} : memref<4x4096xf32, #tpu.memory_space<vmem>>, vector<16xf32>,
        %parallel_loop3A_431 = tpu.vector_load_idx %arg7[%parallel_loop3A_420] : memref<19336xf32, #tpu.memory_space<vmem>>[vector<16xi32>], vector<16xf32>,
        %parallel_loop3A_432 = arith.constant 2 : i32
        %parallel_loop3A_433 = arith.index_cast %parallel_loop3A_432 : i32 to index
        %parallel_loop3A_434 = arith.index_cast %parallel_loop3A_418 : i32 to index
        %parallel_loop3A_435 = tpu.vector_load %arg11[%parallel_loop3A_433, %parallel_loop3A_434] {strides = array<i32>} : memref<4x4096xf32, #tpu.memory_space<vmem>>, vector<16xf32>,
        tpu.vector_store %arg11[%parallel_loop3A_433, %parallel_loop3A_434], %parallel_loop3A_431 {strides = array<i32>} : memref<4x4096xf32, #tpu.memory_space<vmem>>, vector<16xf32>,
        %parallel_loop3A_436 = tpu.vector_load_idx %arg8[%parallel_loop3A_420] : memref<19336xf32, #tpu.memory_space<vmem>>[vector<16xi32>], vector<16xf32>,
        %parallel_loop3A_437 = arith.constant 3 : i32
        %parallel_loop3A_438 = arith.index_cast %parallel_loop3A_437 : i32 to index
        %parallel_loop3A_439 = arith.index_cast %parallel_loop3A_418 : i32 to index
        %parallel_loop3A_440 = tpu.vector_load %arg11[%parallel_loop3A_438, %parallel_loop3A_439] {strides = array<i32>} : memref<4x4096xf32, #tpu.memory_space<vmem>>, vector<16xf32>,
        tpu.vector_store %arg11[%parallel_loop3A_438, %parallel_loop3A_439], %parallel_loop3A_436 {strides = array<i32>} : memref<4x4096xf32, #tpu.memory_space<vmem>>, vector<16xf32>,
      } {sc.loop_unroll_factor = 8 : i64, sc.parallel_access}
      %mul3A_241 = arith.constant 4 : i32
      %mul3A_242 = arith.muli %select_n3A_9, %mul3A_241 : i32
      %add3A_243 = arith.constant 0 : i32
      %add3A_244 = arith.addi %mul3A_242, %add3A_243 : i32
      %mul3A_245 = arith.constant 4096 : i32
      %mul3A_246 = arith.muli %add3A_226, %mul3A_245 : i32
      %add3A_247 = arith.addi %mul3A_70, %mul3A_246 : i32
      %mul3A_248 = arith.constant 1048576 : i32
      %mul3A_249 = arith.muli %add3A_244, %mul3A_248 : i32
      %add3A_250 = arith.addi %mul3A_249, %add3A_247 : i32
      %dma_start3A_251 = arith.constant 0 : i32
      %dma_start3A_252 = arith.constant 0 : i32
      %dma_start3A_253 = tpu.memref_slice %arg11[%dma_start3A_251, %dma_start3A_252] : memref<4x4096xf32, #tpu.memory_space<vmem>> -> memref<1x4096xf32, #tpu.memory_space<vmem>>
      %dma_start3A_254 = tpu.memref_squeeze %dma_start3A_253 : memref<1x4096xf32, #tpu.memory_space<vmem>> -> memref<4096xf32, #tpu.memory_space<vmem>>
      %dma_start3A_255 = tpu.memref_slice %arg4[%add3A_250] : memref<33554432xf32, #tpu.memory_space<hbm>> -> memref<4096xf32, #tpu.memory_space<hbm>>
      %dma_start3A_256 = tpu.memref_slice %arg4[%add3A_250] : memref<33554432xf32, #tpu.memory_space<hbm>> -> memref<4096xf32, #tpu.memory_space<hbm>>
      %dma_start3A_257 = arith.constant 0 : i32
      %dma_start3A_258 = tpu.memref_slice %arg11[%dma_start3A_251, %dma_start3A_257] : memref<4x4096xf32, #tpu.memory_space<vmem>> -> memref<1x4096xf32, #tpu.memory_space<vmem>>
      %dma_start3A_259 = tpu.memref_squeeze %dma_start3A_258 : memref<1x4096xf32, #tpu.memory_space<vmem>> -> memref<4096xf32, #tpu.memory_space<vmem>>
      tpu.enqueue_dma source(%dma_start3A_259 : memref<4096xf32, #tpu.memory_space<vmem>>) target(%dma_start3A_256 : memref<4096xf32, #tpu.memory_space<hbm>>) target_semaphore(%arg14 : memref<!tpu.dma_semaphore, #tpu.memory_space<semaphore_mem>>)
      %mul3A_260 = arith.constant 4 : i32
      %mul3A_261 = arith.muli %select_n3A_9, %mul3A_260 : i32
      %add3A_262 = arith.constant 1 : i32
      %add3A_263 = arith.addi %mul3A_261, %add3A_262 : i32
      %mul3A_264 = arith.constant 4096 : i32
      %mul3A_265 = arith.muli %add3A_226, %mul3A_264 : i32
      %add3A_266 = arith.addi %mul3A_70, %mul3A_265 : i32
      %mul3A_267 = arith.constant 1048576 : i32
      %mul3A_268 = arith.muli %add3A_263, %mul3A_267 : i32
      %add3A_269 = arith.addi %mul3A_268, %add3A_266 : i32
      %dma_start3A_270 = arith.constant 1 : i32
      %dma_start3A_271 = arith.constant 0 : i32
      %dma_start3A_272 = tpu.memref_slice %arg11[%dma_start3A_270, %dma_start3A_271] : memref<4x4096xf32, #tpu.memory_space<vmem>> -> memref<1x4096xf32, #tpu.memory_space<vmem>>
      %dma_start3A_273 = tpu.memref_squeeze %dma_start3A_272 : memref<1x4096xf32, #tpu.memory_space<vmem>> -> memref<4096xf32, #tpu.memory_space<vmem>>
      %dma_start3A_274 = tpu.memref_slice %arg4[%add3A_269] : memref<33554432xf32, #tpu.memory_space<hbm>> -> memref<4096xf32, #tpu.memory_space<hbm>>
      %dma_start3A_275 = tpu.memref_slice %arg4[%add3A_269] : memref<33554432xf32, #tpu.memory_space<hbm>> -> memref<4096xf32, #tpu.memory_space<hbm>>
      %dma_start3A_276 = arith.constant 0 : i32
      %dma_start3A_277 = tpu.memref_slice %arg11[%dma_start3A_270, %dma_start3A_276] : memref<4x4096xf32, #tpu.memory_space<vmem>> -> memref<1x4096xf32, #tpu.memory_space<vmem>>
      %dma_start3A_278 = tpu.memref_squeeze %dma_start3A_277 : memref<1x4096xf32, #tpu.memory_space<vmem>> -> memref<4096xf32, #tpu.memory_space<vmem>>
      tpu.enqueue_dma source(%dma_start3A_278 : memref<4096xf32, #tpu.memory_space<vmem>>) target(%dma_start3A_275 : memref<4096xf32, #tpu.memory_space<hbm>>) target_semaphore(%arg14 : memref<!tpu.dma_semaphore, #tpu.memory_space<semaphore_mem>>)
      %mul3A_279 = arith.constant 4 : i32
      %mul3A_280 = arith.muli %select_n3A_9, %mul3A_279 : i32
      %add3A_281 = arith.constant 2 : i32
      %add3A_282 = arith.addi %mul3A_280, %add3A_281 : i32
      %mul3A_283 = arith.constant 4096 : i32
      %mul3A_284 = arith.muli %add3A_226, %mul3A_283 : i32
      %add3A_285 = arith.addi %mul3A_70, %mul3A_284 : i32
      %mul3A_286 = arith.constant 1048576 : i32
      %mul3A_287 = arith.muli %add3A_282, %mul3A_286 : i32
      %add3A_288 = arith.addi %mul3A_287, %add3A_285 : i32
      %dma_start3A_289 = arith.constant 2 : i32
      %dma_start3A_290 = arith.constant 0 : i32
      %dma_start3A_291 = tpu.memref_slice %arg11[%dma_start3A_289, %dma_start3A_290] : memref<4x4096xf32, #tpu.memory_space<vmem>> -> memref<1x4096xf32, #tpu.memory_space<vmem>>
      %dma_start3A_292 = tpu.memref_squeeze %dma_start3A_291 : memref<1x4096xf32, #tpu.memory_space<vmem>> -> memref<4096xf32, #tpu.memory_space<vmem>>
      %dma_start3A_293 = tpu.memref_slice %arg4[%add3A_288] : memref<33554432xf32, #tpu.memory_space<hbm>> -> memref<4096xf32, #tpu.memory_space<hbm>>
      %dma_start3A_294 = tpu.memref_slice %arg4[%add3A_288] : memref<33554432xf32, #tpu.memory_space<hbm>> -> memref<4096xf32, #tpu.memory_space<hbm>>
      %dma_start3A_295 = arith.constant 0 : i32
      %dma_start3A_296 = tpu.memref_slice %arg11[%dma_start3A_289, %dma_start3A_295] : memref<4x4096xf32, #tpu.memory_space<vmem>> -> memref<1x4096xf32, #tpu.memory_space<vmem>>
      %dma_start3A_297 = tpu.memref_squeeze %dma_start3A_296 : memref<1x4096xf32, #tpu.memory_space<vmem>> -> memref<4096xf32, #tpu.memory_space<vmem>>
      tpu.enqueue_dma source(%dma_start3A_297 : memref<4096xf32, #tpu.memory_space<vmem>>) target(%dma_start3A_294 : memref<4096xf32, #tpu.memory_space<hbm>>) target_semaphore(%arg14 : memref<!tpu.dma_semaphore, #tpu.memory_space<semaphore_mem>>)
      %mul3A_298 = arith.constant 4 : i32
      %mul3A_299 = arith.muli %select_n3A_9, %mul3A_298 : i32
      %add3A_300 = arith.constant 3 : i32
      %add3A_301 = arith.addi %mul3A_299, %add3A_300 : i32
      %mul3A_302 = arith.constant 4096 : i32
      %mul3A_303 = arith.muli %add3A_226, %mul3A_302 : i32
      %add3A_304 = arith.addi %mul3A_70, %mul3A_303 : i32
      %mul3A_305 = arith.constant 1048576 : i32
      %mul3A_306 = arith.muli %add3A_301, %mul3A_305 : i32
      %add3A_307 = arith.addi %mul3A_306, %add3A_304 : i32
      %dma_start3A_308 = arith.constant 3 : i32
      %dma_start3A_309 = arith.constant 0 : i32
      %dma_start3A_310 = tpu.memref_slice %arg11[%dma_start3A_308, %dma_start3A_309] : memref<4x4096xf32, #tpu.memory_space<vmem>> -> memref<1x4096xf32, #tpu.memory_space<vmem>>
      %dma_start3A_311 = tpu.memref_squeeze %dma_start3A_310 : memref<1x4096xf32, #tpu.memory_space<vmem>> -> memref<4096xf32, #tpu.memory_space<vmem>>
      %dma_start3A_312 = tpu.memref_slice %arg4[%add3A_307] : memref<33554432xf32, #tpu.memory_space<hbm>> -> memref<4096xf32, #tpu.memory_space<hbm>>
      %dma_start3A_313 = tpu.memref_slice %arg4[%add3A_307] : memref<33554432xf32, #tpu.memory_space<hbm>> -> memref<4096xf32, #tpu.memory_space<hbm>>
      %dma_start3A_314 = arith.constant 0 : i32
      %dma_start3A_315 = tpu.memref_slice %arg11[%dma_start3A_308, %dma_start3A_314] : memref<4x4096xf32, #tpu.memory_space<vmem>> -> memref<1x4096xf32, #tpu.memory_space<vmem>>
      %dma_start3A_316 = tpu.memref_squeeze %dma_start3A_315 : memref<1x4096xf32, #tpu.memory_space<vmem>> -> memref<4096xf32, #tpu.memory_space<vmem>>
      tpu.enqueue_dma source(%dma_start3A_316 : memref<4096xf32, #tpu.memory_space<vmem>>) target(%dma_start3A_313 : memref<4096xf32, #tpu.memory_space<hbm>>) target_semaphore(%arg14 : memref<!tpu.dma_semaphore, #tpu.memory_space<semaphore_mem>>)
      %mul3A_317 = arith.constant 2 : i32
      %mul3A_318 = arith.muli %scan3A_221, %mul3A_317 : i32
      %add3A_319 = arith.constant 1 : i32
      %add3A_320 = arith.addi %mul3A_318, %add3A_319 : i32
      %mul3A_321 = arith.constant 4096 : i32
      %mul3A_322 = arith.muli %add3A_320, %mul3A_321 : i32
      %add3A_323 = arith.addi %mul3A_70, %mul3A_322 : i32
      %dma_wait3A_324 = tpu.memref_slice %arg3[%add3A_323] : memref<1048576xi32, #tpu.memory_space<hbm>> -> memref<4096xi32, #tpu.memory_space<hbm>>
      %dma_wait3A_325 = tpu.memref_slice %arg3[%add3A_323] : memref<1048576xi32, #tpu.memory_space<hbm>> -> memref<4096xi32, #tpu.memory_space<hbm>>
      tpu.wait_dma2 semaphore(%arg13 : memref<!tpu.dma_semaphore, #tpu.memory_space<semaphore_mem>>) src(%dma_wait3A_325 : memref<4096xi32, #tpu.memory_space<hbm>>) dst(%arg10 : memref<4096xi32, #tpu.memory_space<vmem>>)
      %lt3A_326 = arith.constant 63 : i32
      %lt3A_327 = arith.cmpi slt, %add3A_320, %lt3A_326 : i32
      %convert_element_type3A_328 = arith.extui %lt3A_327 : i1 to i32
      %cond3A_329 = arith.constant 0 : i32
      %cond3A_330 = arith.cmpi ne, %convert_element_type3A_328, %cond3A_329 : i32
      scf.if %cond3A_330 {
        %add3A_416 = arith.constant 4096 : i32
        %add3A_417 = arith.addi %add3A_323, %add3A_416 : i32
        %dma_start3A_418 = tpu.memref_slice %arg3[%add3A_417] : memref<1048576xi32, #tpu.memory_space<hbm>> -> memref<4096xi32, #tpu.memory_space<hbm>>
        %dma_start3A_419 = tpu.memref_slice %arg3[%add3A_417] : memref<1048576xi32, #tpu.memory_space<hbm>> -> memref<4096xi32, #tpu.memory_space<hbm>>
        tpu.enqueue_dma source(%dma_start3A_419 : memref<4096xi32, #tpu.memory_space<hbm>>) target(%arg9 : memref<4096xi32, #tpu.memory_space<vmem>>) target_semaphore(%arg13 : memref<!tpu.dma_semaphore, #tpu.memory_space<semaphore_mem>>)
      } else {
      }
      %ge3A_331 = arith.constant 2 : i32
      %ge3A_332 = arith.cmpi sge, %add3A_320, %ge3A_331 : i32
      %convert_element_type3A_333 = arith.extui %ge3A_332 : i1 to i32
      %cond3A_334 = arith.constant 0 : i32
      %cond3A_335 = arith.cmpi ne, %convert_element_type3A_333, %cond3A_334 : i32
      scf.if %cond3A_335 {
        %mul3A_416 = arith.constant 4 : i32
        %mul3A_417 = arith.muli %select_n3A_9, %mul3A_416 : i32
        %add3A_418 = arith.constant 0 : i32
        %add3A_419 = arith.addi %mul3A_417, %add3A_418 : i32
        %sub3A_420 = arith.constant 2 : i32
        %sub3A_421 = arith.subi %add3A_320, %sub3A_420 : i32
        %mul3A_422 = arith.constant 4096 : i32
        %mul3A_423 = arith.muli %sub3A_421, %mul3A_422 : i32
        %add3A_424 = arith.addi %mul3A_70, %mul3A_423 : i32
        %mul3A_425 = arith.constant 1048576 : i32
        %mul3A_426 = arith.muli %add3A_419, %mul3A_425 : i32
        %add3A_427 = arith.addi %mul3A_426, %add3A_424 : i32
        %dma_wait3A_428 = arith.constant 0 : i32
        %dma_wait3A_429 = arith.constant 0 : i32
        %dma_wait3A_430 = tpu.memref_slice %arg12[%dma_wait3A_428, %dma_wait3A_429] : memref<4x4096xf32, #tpu.memory_space<vmem>> -> memref<1x4096xf32, #tpu.memory_space<vmem>>
        %dma_wait3A_431 = tpu.memref_squeeze %dma_wait3A_430 : memref<1x4096xf32, #tpu.memory_space<vmem>> -> memref<4096xf32, #tpu.memory_space<vmem>>
        %dma_wait3A_432 = tpu.memref_slice %arg4[%add3A_427] : memref<33554432xf32, #tpu.memory_space<hbm>> -> memref<4096xf32, #tpu.memory_space<hbm>>
        %dma_wait3A_433 = tpu.memref_slice %arg4[%add3A_427] : memref<33554432xf32, #tpu.memory_space<hbm>> -> memref<4096xf32, #tpu.memory_space<hbm>>
        %dma_wait3A_434 = arith.constant 0 : i32
        %dma_wait3A_435 = tpu.memref_slice %arg12[%dma_wait3A_428, %dma_wait3A_434] : memref<4x4096xf32, #tpu.memory_space<vmem>> -> memref<1x4096xf32, #tpu.memory_space<vmem>>
        %dma_wait3A_436 = tpu.memref_squeeze %dma_wait3A_435 : memref<1x4096xf32, #tpu.memory_space<vmem>> -> memref<4096xf32, #tpu.memory_space<vmem>>
        tpu.wait_dma2 semaphore(%arg15 : memref<!tpu.dma_semaphore, #tpu.memory_space<semaphore_mem>>) src(%dma_wait3A_436 : memref<4096xf32, #tpu.memory_space<vmem>>) dst(%dma_wait3A_433 : memref<4096xf32, #tpu.memory_space<hbm>>)
        %mul3A_437 = arith.constant 4 : i32
        %mul3A_438 = arith.muli %select_n3A_9, %mul3A_437 : i32
        %add3A_439 = arith.constant 1 : i32
        %add3A_440 = arith.addi %mul3A_438, %add3A_439 : i32
        %sub3A_441 = arith.constant 2 : i32
        %sub3A_442 = arith.subi %add3A_320, %sub3A_441 : i32
        %mul3A_443 = arith.constant 4096 : i32
        %mul3A_444 = arith.muli %sub3A_442, %mul3A_443 : i32
        %add3A_445 = arith.addi %mul3A_70, %mul3A_444 : i32
        %mul3A_446 = arith.constant 1048576 : i32
        %mul3A_447 = arith.muli %add3A_440, %mul3A_446 : i32
        %add3A_448 = arith.addi %mul3A_447, %add3A_445 : i32
        %dma_wait3A_449 = arith.constant 1 : i32
        %dma_wait3A_450 = arith.constant 0 : i32
        %dma_wait3A_451 = tpu.memref_slice %arg12[%dma_wait3A_449, %dma_wait3A_450] : memref<4x4096xf32, #tpu.memory_space<vmem>> -> memref<1x4096xf32, #tpu.memory_space<vmem>>
        %dma_wait3A_452 = tpu.memref_squeeze %dma_wait3A_451 : memref<1x4096xf32, #tpu.memory_space<vmem>> -> memref<4096xf32, #tpu.memory_space<vmem>>
        %dma_wait3A_453 = tpu.memref_slice %arg4[%add3A_448] : memref<33554432xf32, #tpu.memory_space<hbm>> -> memref<4096xf32, #tpu.memory_space<hbm>>
        %dma_wait3A_454 = tpu.memref_slice %arg4[%add3A_448] : memref<33554432xf32, #tpu.memory_space<hbm>> -> memref<4096xf32, #tpu.memory_space<hbm>>
        %dma_wait3A_455 = arith.constant 0 : i32
        %dma_wait3A_456 = tpu.memref_slice %arg12[%dma_wait3A_449, %dma_wait3A_455] : memref<4x4096xf32, #tpu.memory_space<vmem>> -> memref<1x4096xf32, #tpu.memory_space<vmem>>
        %dma_wait3A_457 = tpu.memref_squeeze %dma_wait3A_456 : memref<1x4096xf32, #tpu.memory_space<vmem>> -> memref<4096xf32, #tpu.memory_space<vmem>>
        tpu.wait_dma2 semaphore(%arg15 : memref<!tpu.dma_semaphore, #tpu.memory_space<semaphore_mem>>) src(%dma_wait3A_457 : memref<4096xf32, #tpu.memory_space<vmem>>) dst(%dma_wait3A_454 : memref<4096xf32, #tpu.memory_space<hbm>>)
        %mul3A_458 = arith.constant 4 : i32
        %mul3A_459 = arith.muli %select_n3A_9, %mul3A_458 : i32
        %add3A_460 = arith.constant 2 : i32
        %add3A_461 = arith.addi %mul3A_459, %add3A_460 : i32
        %sub3A_462 = arith.constant 2 : i32
        %sub3A_463 = arith.subi %add3A_320, %sub3A_462 : i32
        %mul3A_464 = arith.constant 4096 : i32
        %mul3A_465 = arith.muli %sub3A_463, %mul3A_464 : i32
        %add3A_466 = arith.addi %mul3A_70, %mul3A_465 : i32
        %mul3A_467 = arith.constant 1048576 : i32
        %mul3A_468 = arith.muli %add3A_461, %mul3A_467 : i32
        %add3A_469 = arith.addi %mul3A_468, %add3A_466 : i32
        %dma_wait3A_470 = arith.constant 2 : i32
        %dma_wait3A_471 = arith.constant 0 : i32
        %dma_wait3A_472 = tpu.memref_slice %arg12[%dma_wait3A_470, %dma_wait3A_471] : memref<4x4096xf32, #tpu.memory_space<vmem>> -> memref<1x4096xf32, #tpu.memory_space<vmem>>
        %dma_wait3A_473 = tpu.memref_squeeze %dma_wait3A_472 : memref<1x4096xf32, #tpu.memory_space<vmem>> -> memref<4096xf32, #tpu.memory_space<vmem>>
        %dma_wait3A_474 = tpu.memref_slice %arg4[%add3A_469] : memref<33554432xf32, #tpu.memory_space<hbm>> -> memref<4096xf32, #tpu.memory_space<hbm>>
        %dma_wait3A_475 = tpu.memref_slice %arg4[%add3A_469] : memref<33554432xf32, #tpu.memory_space<hbm>> -> memref<4096xf32, #tpu.memory_space<hbm>>
        %dma_wait3A_476 = arith.constant 0 : i32
        %dma_wait3A_477 = tpu.memref_slice %arg12[%dma_wait3A_470, %dma_wait3A_476] : memref<4x4096xf32, #tpu.memory_space<vmem>> -> memref<1x4096xf32, #tpu.memory_space<vmem>>
        %dma_wait3A_478 = tpu.memref_squeeze %dma_wait3A_477 : memref<1x4096xf32, #tpu.memory_space<vmem>> -> memref<4096xf32, #tpu.memory_space<vmem>>
        tpu.wait_dma2 semaphore(%arg15 : memref<!tpu.dma_semaphore, #tpu.memory_space<semaphore_mem>>) src(%dma_wait3A_478 : memref<4096xf32, #tpu.memory_space<vmem>>) dst(%dma_wait3A_475 : memref<4096xf32, #tpu.memory_space<hbm>>)
        %mul3A_479 = arith.constant 4 : i32
        %mul3A_480 = arith.muli %select_n3A_9, %mul3A_479 : i32
        %add3A_481 = arith.constant 3 : i32
        %add3A_482 = arith.addi %mul3A_480, %add3A_481 : i32
        %sub3A_483 = arith.constant 2 : i32
        %sub3A_484 = arith.subi %add3A_320, %sub3A_483 : i32
        %mul3A_485 = arith.constant 4096 : i32
        %mul3A_486 = arith.muli %sub3A_484, %mul3A_485 : i32
        %add3A_487 = arith.addi %mul3A_70, %mul3A_486 : i32
        %mul3A_488 = arith.constant 1048576 : i32
        %mul3A_489 = arith.muli %add3A_482, %mul3A_488 : i32
        %add3A_490 = arith.addi %mul3A_489, %add3A_487 : i32
        %dma_wait3A_491 = arith.constant 3 : i32
        %dma_wait3A_492 = arith.constant 0 : i32
        %dma_wait3A_493 = tpu.memref_slice %arg12[%dma_wait3A_491, %dma_wait3A_492] : memref<4x4096xf32, #tpu.memory_space<vmem>> -> memref<1x4096xf32, #tpu.memory_space<vmem>>
        %dma_wait3A_494 = tpu.memref_squeeze %dma_wait3A_493 : memref<1x4096xf32, #tpu.memory_space<vmem>> -> memref<4096xf32, #tpu.memory_space<vmem>>
        %dma_wait3A_495 = tpu.memref_slice %arg4[%add3A_490] : memref<33554432xf32, #tpu.memory_space<hbm>> -> memref<4096xf32, #tpu.memory_space<hbm>>
        %dma_wait3A_496 = tpu.memref_slice %arg4[%add3A_490] : memref<33554432xf32, #tpu.memory_space<hbm>> -> memref<4096xf32, #tpu.memory_space<hbm>>
        %dma_wait3A_497 = arith.constant 0 : i32
        %dma_wait3A_498 = tpu.memref_slice %arg12[%dma_wait3A_491, %dma_wait3A_497] : memref<4x4096xf32, #tpu.memory_space<vmem>> -> memref<1x4096xf32, #tpu.memory_space<vmem>>
        %dma_wait3A_499 = tpu.memref_squeeze %dma_wait3A_498 : memref<1x4096xf32, #tpu.memory_space<vmem>> -> memref<4096xf32, #tpu.memory_space<vmem>>
        tpu.wait_dma2 semaphore(%arg15 : memref<!tpu.dma_semaphore, #tpu.memory_space<semaphore_mem>>) src(%dma_wait3A_499 : memref<4096xf32, #tpu.memory_space<vmem>>) dst(%dma_wait3A_496 : memref<4096xf32, #tpu.memory_space<hbm>>)
      } else {
      }
      %parallel_loop3A_336 = arith.constant 0 : i32
      %parallel_loop3A_337 = arith.constant 256 : i32
      %parallel_loop3A_338 = arith.constant 1 : i32
      scf.for %parallel_loop3A_416 = %parallel_loop3A_336 to %parallel_loop3A_337 step %parallel_loop3A_338  : i32 {
        %parallel_loop3A_417 = arith.constant 16 : i32
        %parallel_loop3A_418 = arith.muli %parallel_loop3A_416, %parallel_loop3A_417 : i32
        %parallel_loop3A_419 = arith.index_cast %parallel_loop3A_418 : i32 to index
        %parallel_loop3A_420 = tpu.vector_load %arg10[%parallel_loop3A_419] {strides = array<i32>} : memref<4096xi32, #tpu.memory_space<vmem>>, vector<16xi32>,
        %parallel_loop3A_421 = tpu.vector_load_idx %arg5[%parallel_loop3A_420] : memref<19336xf32, #tpu.memory_space<vmem>>[vector<16xi32>], vector<16xf32>,
        %parallel_loop3A_422 = arith.constant 0 : i32
        %parallel_loop3A_423 = arith.index_cast %parallel_loop3A_422 : i32 to index
        %parallel_loop3A_424 = arith.index_cast %parallel_loop3A_418 : i32 to index
        %parallel_loop3A_425 = tpu.vector_load %arg12[%parallel_loop3A_423, %parallel_loop3A_424] {strides = array<i32>} : memref<4x4096xf32, #tpu.memory_space<vmem>>, vector<16xf32>,
        tpu.vector_store %arg12[%parallel_loop3A_423, %parallel_loop3A_424], %parallel_loop3A_421 {strides = array<i32>} : memref<4x4096xf32, #tpu.memory_space<vmem>>, vector<16xf32>,
        %parallel_loop3A_426 = tpu.vector_load_idx %arg6[%parallel_loop3A_420] : memref<19336xf32, #tpu.memory_space<vmem>>[vector<16xi32>], vector<16xf32>,
        %parallel_loop3A_427 = arith.constant 1 : i32
        %parallel_loop3A_428 = arith.index_cast %parallel_loop3A_427 : i32 to index
        %parallel_loop3A_429 = arith.index_cast %parallel_loop3A_418 : i32 to index
        %parallel_loop3A_430 = tpu.vector_load %arg12[%parallel_loop3A_428, %parallel_loop3A_429] {strides = array<i32>} : memref<4x4096xf32, #tpu.memory_space<vmem>>, vector<16xf32>,
        tpu.vector_store %arg12[%parallel_loop3A_428, %parallel_loop3A_429], %parallel_loop3A_426 {strides = array<i32>} : memref<4x4096xf32, #tpu.memory_space<vmem>>, vector<16xf32>,
        %parallel_loop3A_431 = tpu.vector_load_idx %arg7[%parallel_loop3A_420] : memref<19336xf32, #tpu.memory_space<vmem>>[vector<16xi32>], vector<16xf32>,
        %parallel_loop3A_432 = arith.constant 2 : i32
        %parallel_loop3A_433 = arith.index_cast %parallel_loop3A_432 : i32 to index
        %parallel_loop3A_434 = arith.index_cast %parallel_loop3A_418 : i32 to index
        %parallel_loop3A_435 = tpu.vector_load %arg12[%parallel_loop3A_433, %parallel_loop3A_434] {strides = array<i32>} : memref<4x4096xf32, #tpu.memory_space<vmem>>, vector<16xf32>,
        tpu.vector_store %arg12[%parallel_loop3A_433, %parallel_loop3A_434], %parallel_loop3A_431 {strides = array<i32>} : memref<4x4096xf32, #tpu.memory_space<vmem>>, vector<16xf32>,
        %parallel_loop3A_436 = tpu.vector_load_idx %arg8[%parallel_loop3A_420] : memref<19336xf32, #tpu.memory_space<vmem>>[vector<16xi32>], vector<16xf32>,
        %parallel_loop3A_437 = arith.constant 3 : i32
        %parallel_loop3A_438 = arith.index_cast %parallel_loop3A_437 : i32 to index
        %parallel_loop3A_439 = arith.index_cast %parallel_loop3A_418 : i32 to index
        %parallel_loop3A_440 = tpu.vector_load %arg12[%parallel_loop3A_438, %parallel_loop3A_439] {strides = array<i32>} : memref<4x4096xf32, #tpu.memory_space<vmem>>, vector<16xf32>,
        tpu.vector_store %arg12[%parallel_loop3A_438, %parallel_loop3A_439], %parallel_loop3A_436 {strides = array<i32>} : memref<4x4096xf32, #tpu.memory_space<vmem>>, vector<16xf32>,
      } {sc.loop_unroll_factor = 8 : i64, sc.parallel_access}
      %mul3A_339 = arith.constant 4 : i32
      %mul3A_340 = arith.muli %select_n3A_9, %mul3A_339 : i32
      %add3A_341 = arith.constant 0 : i32
      %add3A_342 = arith.addi %mul3A_340, %add3A_341 : i32
      %mul3A_343 = arith.constant 4096 : i32
      %mul3A_344 = arith.muli %add3A_320, %mul3A_343 : i32
      %add3A_345 = arith.addi %mul3A_70, %mul3A_344 : i32
      %mul3A_346 = arith.constant 1048576 : i32
      %mul3A_347 = arith.muli %add3A_342, %mul3A_346 : i32
      %add3A_348 = arith.addi %mul3A_347, %add3A_345 : i32
      %dma_start3A_349 = arith.constant 0 : i32
      %dma_start3A_350 = arith.constant 0 : i32
      %dma_start3A_351 = tpu.memref_slice %arg12[%dma_start3A_349, %dma_start3A_350] : memref<4x4096xf32, #tpu.memory_space<vmem>> -> memref<1x4096xf32, #tpu.memory_space<vmem>>
      %dma_start3A_352 = tpu.memref_squeeze %dma_start3A_351 : memref<1x4096xf32, #tpu.memory_space<vmem>> -> memref<4096xf32, #tpu.memory_space<vmem>>
      %dma_start3A_353 = tpu.memref_slice %arg4[%add3A_348] : memref<33554432xf32, #tpu.memory_space<hbm>> -> memref<4096xf32, #tpu.memory_space<hbm>>
      %dma_start3A_354 = tpu.memref_slice %arg4[%add3A_348] : memref<33554432xf32, #tpu.memory_space<hbm>> -> memref<4096xf32, #tpu.memory_space<hbm>>
      %dma_start3A_355 = arith.constant 0 : i32
      %dma_start3A_356 = tpu.memref_slice %arg12[%dma_start3A_349, %dma_start3A_355] : memref<4x4096xf32, #tpu.memory_space<vmem>> -> memref<1x4096xf32, #tpu.memory_space<vmem>>
      %dma_start3A_357 = tpu.memref_squeeze %dma_start3A_356 : memref<1x4096xf32, #tpu.memory_space<vmem>> -> memref<4096xf32, #tpu.memory_space<vmem>>
      tpu.enqueue_dma source(%dma_start3A_357 : memref<4096xf32, #tpu.memory_space<vmem>>) target(%dma_start3A_354 : memref<4096xf32, #tpu.memory_space<hbm>>) target_semaphore(%arg15 : memref<!tpu.dma_semaphore, #tpu.memory_space<semaphore_mem>>)
      %mul3A_358 = arith.constant 4 : i32
      %mul3A_359 = arith.muli %select_n3A_9, %mul3A_358 : i32
      %add3A_360 = arith.constant 1 : i32
      %add3A_361 = arith.addi %mul3A_359, %add3A_360 : i32
      %mul3A_362 = arith.constant 4096 : i32
      %mul3A_363 = arith.muli %add3A_320, %mul3A_362 : i32
      %add3A_364 = arith.addi %mul3A_70, %mul3A_363 : i32
      %mul3A_365 = arith.constant 1048576 : i32
      %mul3A_366 = arith.muli %add3A_361, %mul3A_365 : i32
      %add3A_367 = arith.addi %mul3A_366, %add3A_364 : i32
      %dma_start3A_368 = arith.constant 1 : i32
      %dma_start3A_369 = arith.constant 0 : i32
      %dma_start3A_370 = tpu.memref_slice %arg12[%dma_start3A_368, %dma_start3A_369] : memref<4x4096xf32, #tpu.memory_space<vmem>> -> memref<1x4096xf32, #tpu.memory_space<vmem>>
      %dma_start3A_371 = tpu.memref_squeeze %dma_start3A_370 : memref<1x4096xf32, #tpu.memory_space<vmem>> -> memref<4096xf32, #tpu.memory_space<vmem>>
      %dma_start3A_372 = tpu.memref_slice %arg4[%add3A_367] : memref<33554432xf32, #tpu.memory_space<hbm>> -> memref<4096xf32, #tpu.memory_space<hbm>>
      %dma_start3A_373 = tpu.memref_slice %arg4[%add3A_367] : memref<33554432xf32, #tpu.memory_space<hbm>> -> memref<4096xf32, #tpu.memory_space<hbm>>
      %dma_start3A_374 = arith.constant 0 : i32
      %dma_start3A_375 = tpu.memref_slice %arg12[%dma_start3A_368, %dma_start3A_374] : memref<4x4096xf32, #tpu.memory_space<vmem>> -> memref<1x4096xf32, #tpu.memory_space<vmem>>
      %dma_start3A_376 = tpu.memref_squeeze %dma_start3A_375 : memref<1x4096xf32, #tpu.memory_space<vmem>> -> memref<4096xf32, #tpu.memory_space<vmem>>
      tpu.enqueue_dma source(%dma_start3A_376 : memref<4096xf32, #tpu.memory_space<vmem>>) target(%dma_start3A_373 : memref<4096xf32, #tpu.memory_space<hbm>>) target_semaphore(%arg15 : memref<!tpu.dma_semaphore, #tpu.memory_space<semaphore_mem>>)
      %mul3A_377 = arith.constant 4 : i32
      %mul3A_378 = arith.muli %select_n3A_9, %mul3A_377 : i32
      %add3A_379 = arith.constant 2 : i32
      %add3A_380 = arith.addi %mul3A_378, %add3A_379 : i32
      %mul3A_381 = arith.constant 4096 : i32
      %mul3A_382 = arith.muli %add3A_320, %mul3A_381 : i32
      %add3A_383 = arith.addi %mul3A_70, %mul3A_382 : i32
      %mul3A_384 = arith.constant 1048576 : i32
      %mul3A_385 = arith.muli %add3A_380, %mul3A_384 : i32
      %add3A_386 = arith.addi %mul3A_385, %add3A_383 : i32
      %dma_start3A_387 = arith.constant 2 : i32
      %dma_start3A_388 = arith.constant 0 : i32
      %dma_start3A_389 = tpu.memref_slice %arg12[%dma_start3A_387, %dma_start3A_388] : memref<4x4096xf32, #tpu.memory_space<vmem>> -> memref<1x4096xf32, #tpu.memory_space<vmem>>
      %dma_start3A_390 = tpu.memref_squeeze %dma_start3A_389 : memref<1x4096xf32, #tpu.memory_space<vmem>> -> memref<4096xf32, #tpu.memory_space<vmem>>
      %dma_start3A_391 = tpu.memref_slice %arg4[%add3A_386] : memref<33554432xf32, #tpu.memory_space<hbm>> -> memref<4096xf32, #tpu.memory_space<hbm>>
      %dma_start3A_392 = tpu.memref_slice %arg4[%add3A_386] : memref<33554432xf32, #tpu.memory_space<hbm>> -> memref<4096xf32, #tpu.memory_space<hbm>>
      %dma_start3A_393 = arith.constant 0 : i32
      %dma_start3A_394 = tpu.memref_slice %arg12[%dma_start3A_387, %dma_start3A_393] : memref<4x4096xf32, #tpu.memory_space<vmem>> -> memref<1x4096xf32, #tpu.memory_space<vmem>>
      %dma_start3A_395 = tpu.memref_squeeze %dma_start3A_394 : memref<1x4096xf32, #tpu.memory_space<vmem>> -> memref<4096xf32, #tpu.memory_space<vmem>>
      tpu.enqueue_dma source(%dma_start3A_395 : memref<4096xf32, #tpu.memory_space<vmem>>) target(%dma_start3A_392 : memref<4096xf32, #tpu.memory_space<hbm>>) target_semaphore(%arg15 : memref<!tpu.dma_semaphore, #tpu.memory_space<semaphore_mem>>)
      %mul3A_396 = arith.constant 4 : i32
      %mul3A_397 = arith.muli %select_n3A_9, %mul3A_396 : i32
      %add3A_398 = arith.constant 3 : i32
      %add3A_399 = arith.addi %mul3A_397, %add3A_398 : i32
      %mul3A_400 = arith.constant 4096 : i32
      %mul3A_401 = arith.muli %add3A_320, %mul3A_400 : i32
      %add3A_402 = arith.addi %mul3A_70, %mul3A_401 : i32
      %mul3A_403 = arith.constant 1048576 : i32
      %mul3A_404 = arith.muli %add3A_399, %mul3A_403 : i32
      %add3A_405 = arith.addi %mul3A_404, %add3A_402 : i32
      %dma_start3A_406 = arith.constant 3 : i32
      %dma_start3A_407 = arith.constant 0 : i32
      %dma_start3A_408 = tpu.memref_slice %arg12[%dma_start3A_406, %dma_start3A_407] : memref<4x4096xf32, #tpu.memory_space<vmem>> -> memref<1x4096xf32, #tpu.memory_space<vmem>>
      %dma_start3A_409 = tpu.memref_squeeze %dma_start3A_408 : memref<1x4096xf32, #tpu.memory_space<vmem>> -> memref<4096xf32, #tpu.memory_space<vmem>>
      %dma_start3A_410 = tpu.memref_slice %arg4[%add3A_405] : memref<33554432xf32, #tpu.memory_space<hbm>> -> memref<4096xf32, #tpu.memory_space<hbm>>
      %dma_start3A_411 = tpu.memref_slice %arg4[%add3A_405] : memref<33554432xf32, #tpu.memory_space<hbm>> -> memref<4096xf32, #tpu.memory_space<hbm>>
      %dma_start3A_412 = arith.constant 0 : i32
      %dma_start3A_413 = tpu.memref_slice %arg12[%dma_start3A_406, %dma_start3A_412] : memref<4x4096xf32, #tpu.memory_space<vmem>> -> memref<1x4096xf32, #tpu.memory_space<vmem>>
      %dma_start3A_414 = tpu.memref_squeeze %dma_start3A_413 : memref<1x4096xf32, #tpu.memory_space<vmem>> -> memref<4096xf32, #tpu.memory_space<vmem>>
      tpu.enqueue_dma source(%dma_start3A_414 : memref<4096xf32, #tpu.memory_space<vmem>>) target(%dma_start3A_411 : memref<4096xf32, #tpu.memory_space<hbm>>) target_semaphore(%arg15 : memref<!tpu.dma_semaphore, #tpu.memory_space<semaphore_mem>>)
      %scan3A_415 = arith.constant 0 : i32
      scf.yield %scan3A_415 : i32
    }
    %scan3A_77 = arith.constant 32 : i32
    %mul3A_78 = arith.constant 4 : i32
    %mul3A_79 = arith.muli %select_n3A_9, %mul3A_78 : i32
    %add3A_80 = arith.constant 0 : i32
    %add3A_81 = arith.addi %mul3A_79, %add3A_80 : i32
    %add3A_82 = arith.constant 253952 : i32
    %add3A_83 = arith.addi %mul3A_70, %add3A_82 : i32
    %mul3A_84 = arith.constant 1048576 : i32
    %mul3A_85 = arith.muli %add3A_81, %mul3A_84 : i32
    %add3A_86 = arith.addi %mul3A_85, %add3A_83 : i32
    %dma_wait3A = arith.constant 0 : i32
    %dma_wait3A_87 = arith.constant 0 : i32
    %dma_wait3A_88 = tpu.memref_slice %arg11[%dma_wait3A, %dma_wait3A_87] : memref<4x4096xf32, #tpu.memory_space<vmem>> -> memref<1x4096xf32, #tpu.memory_space<vmem>>
    %dma_wait3A_89 = tpu.memref_squeeze %dma_wait3A_88 : memref<1x4096xf32, #tpu.memory_space<vmem>> -> memref<4096xf32, #tpu.memory_space<vmem>>
    %dma_wait3A_90 = tpu.memref_slice %arg4[%add3A_86] : memref<33554432xf32, #tpu.memory_space<hbm>> -> memref<4096xf32, #tpu.memory_space<hbm>>
    %dma_wait3A_91 = tpu.memref_slice %arg4[%add3A_86] : memref<33554432xf32, #tpu.memory_space<hbm>> -> memref<4096xf32, #tpu.memory_space<hbm>>
    %dma_wait3A_92 = arith.constant 0 : i32
    %dma_wait3A_93 = tpu.memref_slice %arg11[%dma_wait3A, %dma_wait3A_92] : memref<4x4096xf32, #tpu.memory_space<vmem>> -> memref<1x4096xf32, #tpu.memory_space<vmem>>
    %dma_wait3A_94 = tpu.memref_squeeze %dma_wait3A_93 : memref<1x4096xf32, #tpu.memory_space<vmem>> -> memref<4096xf32, #tpu.memory_space<vmem>>
    tpu.wait_dma2 semaphore(%arg14 : memref<!tpu.dma_semaphore, #tpu.memory_space<semaphore_mem>>) src(%dma_wait3A_94 : memref<4096xf32, #tpu.memory_space<vmem>>) dst(%dma_wait3A_91 : memref<4096xf32, #tpu.memory_space<hbm>>)
    %mul3A_95 = arith.constant 4 : i32
    %mul3A_96 = arith.muli %select_n3A_9, %mul3A_95 : i32
    %add3A_97 = arith.constant 1 : i32
    %add3A_98 = arith.addi %mul3A_96, %add3A_97 : i32
    %add3A_99 = arith.constant 253952 : i32
    %add3A_100 = arith.addi %mul3A_70, %add3A_99 : i32
    %mul3A_101 = arith.constant 1048576 : i32
    %mul3A_102 = arith.muli %add3A_98, %mul3A_101 : i32
    %add3A_103 = arith.addi %mul3A_102, %add3A_100 : i32
    %dma_wait3A_104 = arith.constant 1 : i32
    %dma_wait3A_105 = arith.constant 0 : i32
    %dma_wait3A_106 = tpu.memref_slice %arg11[%dma_wait3A_104, %dma_wait3A_105] : memref<4x4096xf32, #tpu.memory_space<vmem>> -> memref<1x4096xf32, #tpu.memory_space<vmem>>
    %dma_wait3A_107 = tpu.memref_squeeze %dma_wait3A_106 : memref<1x4096xf32, #tpu.memory_space<vmem>> -> memref<4096xf32, #tpu.memory_space<vmem>>
    %dma_wait3A_108 = tpu.memref_slice %arg4[%add3A_103] : memref<33554432xf32, #tpu.memory_space<hbm>> -> memref<4096xf32, #tpu.memory_space<hbm>>
    %dma_wait3A_109 = tpu.memref_slice %arg4[%add3A_103] : memref<33554432xf32, #tpu.memory_space<hbm>> -> memref<4096xf32, #tpu.memory_space<hbm>>
    %dma_wait3A_110 = arith.constant 0 : i32
    %dma_wait3A_111 = tpu.memref_slice %arg11[%dma_wait3A_104, %dma_wait3A_110] : memref<4x4096xf32, #tpu.memory_space<vmem>> -> memref<1x4096xf32, #tpu.memory_space<vmem>>
    %dma_wait3A_112 = tpu.memref_squeeze %dma_wait3A_111 : memref<1x4096xf32, #tpu.memory_space<vmem>> -> memref<4096xf32, #tpu.memory_space<vmem>>
    tpu.wait_dma2 semaphore(%arg14 : memref<!tpu.dma_semaphore, #tpu.memory_space<semaphore_mem>>) src(%dma_wait3A_112 : memref<4096xf32, #tpu.memory_space<vmem>>) dst(%dma_wait3A_109 : memref<4096xf32, #tpu.memory_space<hbm>>)
    %mul3A_113 = arith.constant 4 : i32
    %mul3A_114 = arith.muli %select_n3A_9, %mul3A_113 : i32
    %add3A_115 = arith.constant 2 : i32
    %add3A_116 = arith.addi %mul3A_114, %add3A_115 : i32
    %add3A_117 = arith.constant 253952 : i32
    %add3A_118 = arith.addi %mul3A_70, %add3A_117 : i32
    %mul3A_119 = arith.constant 1048576 : i32
    %mul3A_120 = arith.muli %add3A_116, %mul3A_119 : i32
    %add3A_121 = arith.addi %mul3A_120, %add3A_118 : i32
    %dma_wait3A_122 = arith.constant 2 : i32
    %dma_wait3A_123 = arith.constant 0 : i32
    %dma_wait3A_124 = tpu.memref_slice %arg11[%dma_wait3A_122, %dma_wait3A_123] : memref<4x4096xf32, #tpu.memory_space<vmem>> -> memref<1x4096xf32, #tpu.memory_space<vmem>>
    %dma_wait3A_125 = tpu.memref_squeeze %dma_wait3A_124 : memref<1x4096xf32, #tpu.memory_space<vmem>> -> memref<4096xf32, #tpu.memory_space<vmem>>
    %dma_wait3A_126 = tpu.memref_slice %arg4[%add3A_121] : memref<33554432xf32, #tpu.memory_space<hbm>> -> memref<4096xf32, #tpu.memory_space<hbm>>
    %dma_wait3A_127 = tpu.memref_slice %arg4[%add3A_121] : memref<33554432xf32, #tpu.memory_space<hbm>> -> memref<4096xf32, #tpu.memory_space<hbm>>
    %dma_wait3A_128 = arith.constant 0 : i32
    %dma_wait3A_129 = tpu.memref_slice %arg11[%dma_wait3A_122, %dma_wait3A_128] : memref<4x4096xf32, #tpu.memory_space<vmem>> -> memref<1x4096xf32, #tpu.memory_space<vmem>>
    %dma_wait3A_130 = tpu.memref_squeeze %dma_wait3A_129 : memref<1x4096xf32, #tpu.memory_space<vmem>> -> memref<4096xf32, #tpu.memory_space<vmem>>
    tpu.wait_dma2 semaphore(%arg14 : memref<!tpu.dma_semaphore, #tpu.memory_space<semaphore_mem>>) src(%dma_wait3A_130 : memref<4096xf32, #tpu.memory_space<vmem>>) dst(%dma_wait3A_127 : memref<4096xf32, #tpu.memory_space<hbm>>)
    %mul3A_131 = arith.constant 4 : i32
    %mul3A_132 = arith.muli %select_n3A_9, %mul3A_131 : i32
    %add3A_133 = arith.constant 3 : i32
    %add3A_134 = arith.addi %mul3A_132, %add3A_133 : i32
    %add3A_135 = arith.constant 253952 : i32
    %add3A_136 = arith.addi %mul3A_70, %add3A_135 : i32
    %mul3A_137 = arith.constant 1048576 : i32
    %mul3A_138 = arith.muli %add3A_134, %mul3A_137 : i32
    %add3A_139 = arith.addi %mul3A_138, %add3A_136 : i32
    %dma_wait3A_140 = arith.constant 3 : i32
    %dma_wait3A_141 = arith.constant 0 : i32
    %dma_wait3A_142 = tpu.memref_slice %arg11[%dma_wait3A_140, %dma_wait3A_141] : memref<4x4096xf32, #tpu.memory_space<vmem>> -> memref<1x4096xf32, #tpu.memory_space<vmem>>
    %dma_wait3A_143 = tpu.memref_squeeze %dma_wait3A_142 : memref<1x4096xf32, #tpu.memory_space<vmem>> -> memref<4096xf32, #tpu.memory_space<vmem>>
    %dma_wait3A_144 = tpu.memref_slice %arg4[%add3A_139] : memref<33554432xf32, #tpu.memory_space<hbm>> -> memref<4096xf32, #tpu.memory_space<hbm>>
    %dma_wait3A_145 = tpu.memref_slice %arg4[%add3A_139] : memref<33554432xf32, #tpu.memory_space<hbm>> -> memref<4096xf32, #tpu.memory_space<hbm>>
    %dma_wait3A_146 = arith.constant 0 : i32
    %dma_wait3A_147 = tpu.memref_slice %arg11[%dma_wait3A_140, %dma_wait3A_146] : memref<4x4096xf32, #tpu.memory_space<vmem>> -> memref<1x4096xf32, #tpu.memory_space<vmem>>
    %dma_wait3A_148 = tpu.memref_squeeze %dma_wait3A_147 : memref<1x4096xf32, #tpu.memory_space<vmem>> -> memref<4096xf32, #tpu.memory_space<vmem>>
    tpu.wait_dma2 semaphore(%arg14 : memref<!tpu.dma_semaphore, #tpu.memory_space<semaphore_mem>>) src(%dma_wait3A_148 : memref<4096xf32, #tpu.memory_space<vmem>>) dst(%dma_wait3A_145 : memref<4096xf32, #tpu.memory_space<hbm>>)
    %mul3A_149 = arith.constant 4 : i32
    %mul3A_150 = arith.muli %select_n3A_9, %mul3A_149 : i32
    %add3A_151 = arith.constant 0 : i32
    %add3A_152 = arith.addi %mul3A_150, %add3A_151 : i32
    %add3A_153 = arith.constant 258048 : i32
    %add3A_154 = arith.addi %mul3A_70, %add3A_153 : i32
    %mul3A_155 = arith.constant 1048576 : i32
    %mul3A_156 = arith.muli %add3A_152, %mul3A_155 : i32
    %add3A_157 = arith.addi %mul3A_156, %add3A_154 : i32
    %dma_wait3A_158 = arith.constant 0 : i32
    %dma_wait3A_159 = arith.constant 0 : i32
    %dma_wait3A_160 = tpu.memref_slice %arg12[%dma_wait3A_158, %dma_wait3A_159] : memref<4x4096xf32, #tpu.memory_space<vmem>> -> memref<1x4096xf32, #tpu.memory_space<vmem>>
    %dma_wait3A_161 = tpu.memref_squeeze %dma_wait3A_160 : memref<1x4096xf32, #tpu.memory_space<vmem>> -> memref<4096xf32, #tpu.memory_space<vmem>>
    %dma_wait3A_162 = tpu.memref_slice %arg4[%add3A_157] : memref<33554432xf32, #tpu.memory_space<hbm>> -> memref<4096xf32, #tpu.memory_space<hbm>>
    %dma_wait3A_163 = tpu.memref_slice %arg4[%add3A_157] : memref<33554432xf32, #tpu.memory_space<hbm>> -> memref<4096xf32, #tpu.memory_space<hbm>>
    %dma_wait3A_164 = arith.constant 0 : i32
    %dma_wait3A_165 = tpu.memref_slice %arg12[%dma_wait3A_158, %dma_wait3A_164] : memref<4x4096xf32, #tpu.memory_space<vmem>> -> memref<1x4096xf32, #tpu.memory_space<vmem>>
    %dma_wait3A_166 = tpu.memref_squeeze %dma_wait3A_165 : memref<1x4096xf32, #tpu.memory_space<vmem>> -> memref<4096xf32, #tpu.memory_space<vmem>>
    tpu.wait_dma2 semaphore(%arg15 : memref<!tpu.dma_semaphore, #tpu.memory_space<semaphore_mem>>) src(%dma_wait3A_166 : memref<4096xf32, #tpu.memory_space<vmem>>) dst(%dma_wait3A_163 : memref<4096xf32, #tpu.memory_space<hbm>>)
    %mul3A_167 = arith.constant 4 : i32
    %mul3A_168 = arith.muli %select_n3A_9, %mul3A_167 : i32
    %add3A_169 = arith.constant 1 : i32
    %add3A_170 = arith.addi %mul3A_168, %add3A_169 : i32
    %add3A_171 = arith.constant 258048 : i32
    %add3A_172 = arith.addi %mul3A_70, %add3A_171 : i32
    %mul3A_173 = arith.constant 1048576 : i32
    %mul3A_174 = arith.muli %add3A_170, %mul3A_173 : i32
    %add3A_175 = arith.addi %mul3A_174, %add3A_172 : i32
    %dma_wait3A_176 = arith.constant 1 : i32
    %dma_wait3A_177 = arith.constant 0 : i32
    %dma_wait3A_178 = tpu.memref_slice %arg12[%dma_wait3A_176, %dma_wait3A_177] : memref<4x4096xf32, #tpu.memory_space<vmem>> -> memref<1x4096xf32, #tpu.memory_space<vmem>>
    %dma_wait3A_179 = tpu.memref_squeeze %dma_wait3A_178 : memref<1x4096xf32, #tpu.memory_space<vmem>> -> memref<4096xf32, #tpu.memory_space<vmem>>
    %dma_wait3A_180 = tpu.memref_slice %arg4[%add3A_175] : memref<33554432xf32, #tpu.memory_space<hbm>> -> memref<4096xf32, #tpu.memory_space<hbm>>
    %dma_wait3A_181 = tpu.memref_slice %arg4[%add3A_175] : memref<33554432xf32, #tpu.memory_space<hbm>> -> memref<4096xf32, #tpu.memory_space<hbm>>
    %dma_wait3A_182 = arith.constant 0 : i32
    %dma_wait3A_183 = tpu.memref_slice %arg12[%dma_wait3A_176, %dma_wait3A_182] : memref<4x4096xf32, #tpu.memory_space<vmem>> -> memref<1x4096xf32, #tpu.memory_space<vmem>>
    %dma_wait3A_184 = tpu.memref_squeeze %dma_wait3A_183 : memref<1x4096xf32, #tpu.memory_space<vmem>> -> memref<4096xf32, #tpu.memory_space<vmem>>
    tpu.wait_dma2 semaphore(%arg15 : memref<!tpu.dma_semaphore, #tpu.memory_space<semaphore_mem>>) src(%dma_wait3A_184 : memref<4096xf32, #tpu.memory_space<vmem>>) dst(%dma_wait3A_181 : memref<4096xf32, #tpu.memory_space<hbm>>)
    %mul3A_185 = arith.constant 4 : i32
    %mul3A_186 = arith.muli %select_n3A_9, %mul3A_185 : i32
    %add3A_187 = arith.constant 2 : i32
    %add3A_188 = arith.addi %mul3A_186, %add3A_187 : i32
    %add3A_189 = arith.constant 258048 : i32
    %add3A_190 = arith.addi %mul3A_70, %add3A_189 : i32
    %mul3A_191 = arith.constant 1048576 : i32
    %mul3A_192 = arith.muli %add3A_188, %mul3A_191 : i32
    %add3A_193 = arith.addi %mul3A_192, %add3A_190 : i32
    %dma_wait3A_194 = arith.constant 2 : i32
    %dma_wait3A_195 = arith.constant 0 : i32
    %dma_wait3A_196 = tpu.memref_slice %arg12[%dma_wait3A_194, %dma_wait3A_195] : memref<4x4096xf32, #tpu.memory_space<vmem>> -> memref<1x4096xf32, #tpu.memory_space<vmem>>
    %dma_wait3A_197 = tpu.memref_squeeze %dma_wait3A_196 : memref<1x4096xf32, #tpu.memory_space<vmem>> -> memref<4096xf32, #tpu.memory_space<vmem>>
    %dma_wait3A_198 = tpu.memref_slice %arg4[%add3A_193] : memref<33554432xf32, #tpu.memory_space<hbm>> -> memref<4096xf32, #tpu.memory_space<hbm>>
    %dma_wait3A_199 = tpu.memref_slice %arg4[%add3A_193] : memref<33554432xf32, #tpu.memory_space<hbm>> -> memref<4096xf32, #tpu.memory_space<hbm>>
    %dma_wait3A_200 = arith.constant 0 : i32
    %dma_wait3A_201 = tpu.memref_slice %arg12[%dma_wait3A_194, %dma_wait3A_200] : memref<4x4096xf32, #tpu.memory_space<vmem>> -> memref<1x4096xf32, #tpu.memory_space<vmem>>
    %dma_wait3A_202 = tpu.memref_squeeze %dma_wait3A_201 : memref<1x4096xf32, #tpu.memory_space<vmem>> -> memref<4096xf32, #tpu.memory_space<vmem>>
    tpu.wait_dma2 semaphore(%arg15 : memref<!tpu.dma_semaphore, #tpu.memory_space<semaphore_mem>>) src(%dma_wait3A_202 : memref<4096xf32, #tpu.memory_space<vmem>>) dst(%dma_wait3A_199 : memref<4096xf32, #tpu.memory_space<hbm>>)
    %mul3A_203 = arith.constant 4 : i32
    %mul3A_204 = arith.muli %select_n3A_9, %mul3A_203 : i32
    %add3A_205 = arith.constant 3 : i32
    %add3A_206 = arith.addi %mul3A_204, %add3A_205 : i32
    %add3A_207 = arith.constant 258048 : i32
    %add3A_208 = arith.addi %mul3A_70, %add3A_207 : i32
    %mul3A_209 = arith.constant 1048576 : i32
    %mul3A_210 = arith.muli %add3A_206, %mul3A_209 : i32
    %add3A_211 = arith.addi %mul3A_210, %add3A_208 : i32
    %dma_wait3A_212 = arith.constant 3 : i32
    %dma_wait3A_213 = arith.constant 0 : i32
    %dma_wait3A_214 = tpu.memref_slice %arg12[%dma_wait3A_212, %dma_wait3A_213] : memref<4x4096xf32, #tpu.memory_space<vmem>> -> memref<1x4096xf32, #tpu.memory_space<vmem>>
    %dma_wait3A_215 = tpu.memref_squeeze %dma_wait3A_214 : memref<1x4096xf32, #tpu.memory_space<vmem>> -> memref<4096xf32, #tpu.memory_space<vmem>>
    %dma_wait3A_216 = tpu.memref_slice %arg4[%add3A_211] : memref<33554432xf32, #tpu.memory_space<hbm>> -> memref<4096xf32, #tpu.memory_space<hbm>>
    %dma_wait3A_217 = tpu.memref_slice %arg4[%add3A_211] : memref<33554432xf32, #tpu.memory_space<hbm>> -> memref<4096xf32, #tpu.memory_space<hbm>>
    %dma_wait3A_218 = arith.constant 0 : i32
    %dma_wait3A_219 = tpu.memref_slice %arg12[%dma_wait3A_212, %dma_wait3A_218] : memref<4x4096xf32, #tpu.memory_space<vmem>> -> memref<1x4096xf32, #tpu.memory_space<vmem>>
    %dma_wait3A_220 = tpu.memref_squeeze %dma_wait3A_219 : memref<1x4096xf32, #tpu.memory_space<vmem>> -> memref<4096xf32, #tpu.memory_space<vmem>>
    tpu.wait_dma2 semaphore(%arg15 : memref<!tpu.dma_semaphore, #tpu.memory_space<semaphore_mem>>) src(%dma_wait3A_220 : memref<4096xf32, #tpu.memory_space<vmem>>) dst(%dma_wait3A_217 : memref<4096xf32, #tpu.memory_space<hbm>>)
    return
  }
}

module attributes {stable_mosaic.version = 14 : i64} {
  func.func @_tc_index(%arg0: i32, %arg1: memref<16xf32, #tpu.memory_space<smem>>, %arg2: memref<512x128xi32, #tpu.memory_space<vmem>>, %arg3: memref<512x128xi32, #tpu.memory_space<vmem>>) attributes {dimension_semantics = [#tpu.dimension_semantics<arbitrary>], iteration_bounds = array<i64: 16>, scalar_prefetch = 0 : i64, scratch_operands = 0 : i64, tpu.core_type = #tpu.core_type<tc>, window_params = [{transform_indices = @transform_0, window_bounds = array<i64: 16>}, {transform_indices = @transform_1, window_bounds = array<i64: 512, 128>}, {transform_indices = @transform_2, window_bounds = array<i64: 512, 128>}]} {
    %iota3A = tpu.iota {dimensions = array<i32: 0>} : vector<512x128xi32>
    %iota3A_0 = tpu.iota {dimensions = array<i32: 1>} : vector<512x128xi32>
    %mul3A = arith.constant 512 : i32
    %mul3A_1 = arith.muli %arg0, %mul3A : i32
    %add3A = vector.broadcast %mul3A_1 : i32 to vector<512x128xi32>
    %add3A_2 = arith.addi %add3A, %iota3A : vector<512x128xi32>
    %mul3A_3 = arith.constant 128 : i32
    %mul3A_4 = vector.broadcast %mul3A_3 : i32 to vector<512x128xi32>
    %mul3A_5 = arith.muli %add3A_2, %mul3A_4 : vector<512x128xi32>
    %add3A_6 = arith.addi %mul3A_5, %iota3A_0 : vector<512x128xi32>
    %and3A = arith.constant 127 : i32
    %and3A_7 = vector.broadcast %and3A : i32 to vector<512x128xi32>
    %and3A_8 = arith.andi %add3A_6, %and3A_7 : vector<512x128xi32>
    %shift_right_arithmetic3A = arith.constant 7 : i32
    %shift_right_arithmetic3A_9 = vector.broadcast %shift_right_arithmetic3A : i32 to vector<512x128xi32>
    %shift_right_arithmetic3A_10 = arith.shrsi %add3A_6, %shift_right_arithmetic3A_9 : vector<512x128xi32>
    %and3A_11 = arith.constant 63 : i32
    %and3A_12 = vector.broadcast %and3A_11 : i32 to vector<512x128xi32>
    %and3A_13 = arith.andi %shift_right_arithmetic3A_10, %and3A_12 : vector<512x128xi32>
    %shift_right_arithmetic3A_14 = arith.constant 13 : i32
    %shift_right_arithmetic3A_15 = vector.broadcast %shift_right_arithmetic3A_14 : i32 to vector<512x128xi32>
    %shift_right_arithmetic3A_16 = arith.shrsi %add3A_6, %shift_right_arithmetic3A_15 : vector<512x128xi32>
    %get3A = arith.constant 12 : index
    %get3A_17 = memref.load %arg1[%get3A] : memref<16xf32, #tpu.memory_space<smem>>
    %get3A_18 = arith.constant 13 : index
    %get3A_19 = memref.load %arg1[%get3A_18] : memref<16xf32, #tpu.memory_space<smem>>
    %get3A_20 = arith.constant 14 : index
    %get3A_21 = memref.load %arg1[%get3A_20] : memref<16xf32, #tpu.memory_space<smem>>
    %convert_element_type3A = arith.sitofp %shift_right_arithmetic3A_16 : vector<512x128xi32> to vector<512x128xf32>
    %mul3A_22 = arith.constant 4.000000e-02 : f32
    %mul3A_23 = vector.broadcast %mul3A_22 : f32 to vector<512x128xf32>
    %mul3A_24 = arith.mulf %convert_element_type3A, %mul3A_23 : vector<512x128xf32>
    %add3A_25 = vector.broadcast %get3A_17 : f32 to vector<512x128xf32>
    %add3A_26 = arith.addf %mul3A_24, %add3A_25 : vector<512x128xf32>
    %convert_element_type3A_27 = arith.sitofp %and3A_8 : vector<512x128xi32> to vector<512x128xf32>
    %mul3A_28 = arith.constant 4.000000e-02 : f32
    %mul3A_29 = vector.broadcast %mul3A_28 : f32 to vector<512x128xf32>
    %mul3A_30 = arith.mulf %convert_element_type3A_27, %mul3A_29 : vector<512x128xf32>
    %add3A_31 = vector.broadcast %get3A_19 : f32 to vector<512x128xf32>
    %add3A_32 = arith.addf %mul3A_30, %add3A_31 : vector<512x128xf32>
    %convert_element_type3A_33 = arith.sitofp %and3A_13 : vector<512x128xi32> to vector<512x128xf32>
    %mul3A_34 = arith.constant 4.000000e-02 : f32
    %mul3A_35 = vector.broadcast %mul3A_34 : f32 to vector<512x128xf32>
    %mul3A_36 = arith.mulf %convert_element_type3A_33, %mul3A_35 : vector<512x128xf32>
    %add3A_37 = vector.broadcast %get3A_21 : f32 to vector<512x128xf32>
    %add3A_38 = arith.addf %mul3A_36, %add3A_37 : vector<512x128xf32>
    %convert_element_type3A_39 = arith.truncf %add3A_26 : vector<512x128xf32> to vector<512x128xbf16>
    %convert_element_type3A_40 = arith.extf %convert_element_type3A_39 : vector<512x128xbf16> to vector<512x128xf32>
    %convert_element_type3A_41 = arith.truncf %add3A_32 : vector<512x128xf32> to vector<512x128xbf16>
    %convert_element_type3A_42 = arith.extf %convert_element_type3A_41 : vector<512x128xbf16> to vector<512x128xf32>
    %convert_element_type3A_43 = arith.truncf %add3A_38 : vector<512x128xf32> to vector<512x128xbf16>
    %convert_element_type3A_44 = arith.extf %convert_element_type3A_43 : vector<512x128xbf16> to vector<512x128xf32>
    %get3A_45 = arith.constant 0 : index
    %get3A_46 = memref.load %arg1[%get3A_45] : memref<16xf32, #tpu.memory_space<smem>>
    %get3A_47 = arith.constant 1 : index
    %get3A_48 = memref.load %arg1[%get3A_47] : memref<16xf32, #tpu.memory_space<smem>>
    %get3A_49 = arith.constant 2 : index
    %get3A_50 = memref.load %arg1[%get3A_49] : memref<16xf32, #tpu.memory_space<smem>>
    %get3A_51 = arith.constant 3 : index
    %get3A_52 = memref.load %arg1[%get3A_51] : memref<16xf32, #tpu.memory_space<smem>>
    %get3A_53 = arith.constant 4 : index
    %get3A_54 = memref.load %arg1[%get3A_53] : memref<16xf32, #tpu.memory_space<smem>>
    %get3A_55 = arith.constant 5 : index
    %get3A_56 = memref.load %arg1[%get3A_55] : memref<16xf32, #tpu.memory_space<smem>>
    %get3A_57 = arith.constant 6 : index
    %get3A_58 = memref.load %arg1[%get3A_57] : memref<16xf32, #tpu.memory_space<smem>>
    %get3A_59 = arith.constant 7 : index
    %get3A_60 = memref.load %arg1[%get3A_59] : memref<16xf32, #tpu.memory_space<smem>>
    %get3A_61 = arith.constant 8 : index
    %get3A_62 = memref.load %arg1[%get3A_61] : memref<16xf32, #tpu.memory_space<smem>>
    %get3A_63 = arith.constant 9 : index
    %get3A_64 = memref.load %arg1[%get3A_63] : memref<16xf32, #tpu.memory_space<smem>>
    %get3A_65 = arith.constant 10 : index
    %get3A_66 = memref.load %arg1[%get3A_65] : memref<16xf32, #tpu.memory_space<smem>>
    %get3A_67 = arith.constant 11 : index
    %get3A_68 = memref.load %arg1[%get3A_67] : memref<16xf32, #tpu.memory_space<smem>>
    %mul3A_69 = vector.broadcast %get3A_46 : f32 to vector<512x128xf32>
    %mul3A_70 = arith.mulf %mul3A_69, %convert_element_type3A_40 : vector<512x128xf32>
    %mul3A_71 = vector.broadcast %get3A_48 : f32 to vector<512x128xf32>
    %mul3A_72 = arith.mulf %mul3A_71, %convert_element_type3A_42 : vector<512x128xf32>
    %add3A_73 = arith.addf %mul3A_70, %mul3A_72 : vector<512x128xf32>
    %mul3A_74 = vector.broadcast %get3A_50 : f32 to vector<512x128xf32>
    %mul3A_75 = arith.mulf %mul3A_74, %convert_element_type3A_44 : vector<512x128xf32>
    %add3A_76 = arith.addf %add3A_73, %mul3A_75 : vector<512x128xf32>
    %add3A_77 = vector.broadcast %get3A_52 : f32 to vector<512x128xf32>
    %add3A_78 = arith.addf %add3A_76, %add3A_77 : vector<512x128xf32>
    %mul3A_79 = vector.broadcast %get3A_54 : f32 to vector<512x128xf32>
    %mul3A_80 = arith.mulf %mul3A_79, %convert_element_type3A_40 : vector<512x128xf32>
    %mul3A_81 = vector.broadcast %get3A_56 : f32 to vector<512x128xf32>
    %mul3A_82 = arith.mulf %mul3A_81, %convert_element_type3A_42 : vector<512x128xf32>
    %add3A_83 = arith.addf %mul3A_80, %mul3A_82 : vector<512x128xf32>
    %mul3A_84 = vector.broadcast %get3A_58 : f32 to vector<512x128xf32>
    %mul3A_85 = arith.mulf %mul3A_84, %convert_element_type3A_44 : vector<512x128xf32>
    %add3A_86 = arith.addf %add3A_83, %mul3A_85 : vector<512x128xf32>
    %add3A_87 = vector.broadcast %get3A_60 : f32 to vector<512x128xf32>
    %add3A_88 = arith.addf %add3A_86, %add3A_87 : vector<512x128xf32>
    %mul3A_89 = vector.broadcast %get3A_62 : f32 to vector<512x128xf32>
    %mul3A_90 = arith.mulf %mul3A_89, %convert_element_type3A_40 : vector<512x128xf32>
    %mul3A_91 = vector.broadcast %get3A_64 : f32 to vector<512x128xf32>
    %mul3A_92 = arith.mulf %mul3A_91, %convert_element_type3A_42 : vector<512x128xf32>
    %add3A_93 = arith.addf %mul3A_90, %mul3A_92 : vector<512x128xf32>
    %mul3A_94 = vector.broadcast %get3A_66 : f32 to vector<512x128xf32>
    %mul3A_95 = arith.mulf %mul3A_94, %convert_element_type3A_44 : vector<512x128xf32>
    %add3A_96 = arith.addf %add3A_93, %mul3A_95 : vector<512x128xf32>
    %add3A_97 = vector.broadcast %get3A_68 : f32 to vector<512x128xf32>
    %add3A_98 = arith.addf %add3A_96, %add3A_97 : vector<512x128xf32>
    %div3A = arith.divf %add3A_78, %add3A_98 : vector<512x128xf32>
    %div3A_99 = arith.divf %add3A_88, %add3A_98 : vector<512x128xf32>
    %add3A_100 = arith.constant 0x4B400000 : f32
    %add3A_101 = vector.broadcast %add3A_100 : f32 to vector<512x128xf32>
    %add3A_102 = arith.addf %div3A, %add3A_101 : vector<512x128xf32>
    %sub3A = arith.constant 0x4B400000 : f32
    %sub3A_103 = vector.broadcast %sub3A : f32 to vector<512x128xf32>
    %sub3A_104 = arith.subf %add3A_102, %sub3A_103 : vector<512x128xf32>
    %add3A_105 = arith.constant 0x4B400000 : f32
    %add3A_106 = vector.broadcast %add3A_105 : f32 to vector<512x128xf32>
    %add3A_107 = arith.addf %div3A_99, %add3A_106 : vector<512x128xf32>
    %sub3A_108 = arith.constant 0x4B400000 : f32
    %sub3A_109 = vector.broadcast %sub3A_108 : f32 to vector<512x128xf32>
    %sub3A_110 = arith.subf %add3A_107, %sub3A_109 : vector<512x128xf32>
    %convert_element_type3A_111 = arith.fptosi %sub3A_104 : vector<512x128xf32> to vector<512x128xi32>
    %convert_element_type3A_112 = arith.fptosi %sub3A_110 : vector<512x128xf32> to vector<512x128xi32>
    %ge3A = arith.constant 0 : i32
    %ge3A_113 = vector.broadcast %ge3A : i32 to vector<512x128xi32>
    %ge3A_114 = arith.cmpi sge, %convert_element_type3A_111, %ge3A_113 : vector<512x128xi32>
    %ge3A_115 = arith.constant 0 : i32
    %ge3A_116 = vector.broadcast %ge3A_115 : i32 to vector<512x128xi32>
    %ge3A_117 = arith.cmpi sge, %convert_element_type3A_112, %ge3A_116 : vector<512x128xi32>
    %and3A_118 = arith.andi %ge3A_114, %ge3A_117 : vector<512x128xi1>
    %lt3A = arith.constant 160 : i32
    %lt3A_119 = vector.broadcast %lt3A : i32 to vector<512x128xi32>
    %lt3A_120 = arith.cmpi slt, %convert_element_type3A_111, %lt3A_119 : vector<512x128xi32>
    %and3A_121 = arith.andi %and3A_118, %lt3A_120 : vector<512x128xi1>
    %lt3A_122 = arith.constant 120 : i32
    %lt3A_123 = vector.broadcast %lt3A_122 : i32 to vector<512x128xi32>
    %lt3A_124 = arith.cmpi slt, %convert_element_type3A_112, %lt3A_123 : vector<512x128xi32>
    %and3A_125 = arith.andi %and3A_121, %lt3A_124 : vector<512x128xi1>
    %gt3A = arith.constant 0.000000e+00 : f32
    %gt3A_126 = vector.broadcast %gt3A : f32 to vector<512x128xf32>
    %gt3A_127 = arith.cmpf ogt, %add3A_98, %gt3A_126 : vector<512x128xf32>
    %and3A_128 = arith.andi %and3A_125, %gt3A_127 : vector<512x128xi1>
    %max3A = arith.constant 0 : i32
    %max3A_129 = vector.broadcast %max3A : i32 to vector<512x128xi32>
    %max3A_130 = arith.maxsi %convert_element_type3A_111, %max3A_129 : vector<512x128xi32>
    %min3A = arith.constant 159 : i32
    %min3A_131 = vector.broadcast %min3A : i32 to vector<512x128xi32>
    %min3A_132 = arith.minsi %max3A_130, %min3A_131 : vector<512x128xi32>
    %max3A_133 = arith.constant 0 : i32
    %max3A_134 = vector.broadcast %max3A_133 : i32 to vector<512x128xi32>
    %max3A_135 = arith.maxsi %convert_element_type3A_112, %max3A_134 : vector<512x128xi32>
    %min3A_136 = arith.constant 119 : i32
    %min3A_137 = vector.broadcast %min3A_136 : i32 to vector<512x128xi32>
    %min3A_138 = arith.minsi %max3A_135, %min3A_137 : vector<512x128xi32>
    %mul3A_139 = arith.constant 161 : i32
    %mul3A_140 = vector.broadcast %mul3A_139 : i32 to vector<512x128xi32>
    %mul3A_141 = arith.muli %min3A_138, %mul3A_140 : vector<512x128xi32>
    %add3A_142 = arith.addi %mul3A_141, %min3A_132 : vector<512x128xi32>
    %jit3A = arith.constant 19320 : i32
    %broadcast_in_dim3A = vector.broadcast %jit3A : i32 to vector<512x128xi32>
    %select_n3A = arith.select %and3A_128, %add3A_142, %broadcast_in_dim3A : vector<512x128xi1>, vector<512x128xi32>
    %swap3A = arith.constant 0 : index
    %swap3A_143 = arith.constant 0 : index
    %swap3A_144 = vector.load %arg2[%swap3A, %swap3A_143] : memref<512x128xi32, #tpu.memory_space<vmem>>, vector<512x128xi32>
    tpu.vector_store %arg2[%swap3A, %swap3A_143], %select_n3A {strides = array<i32>} : memref<512x128xi32, #tpu.memory_space<vmem>>, vector<512x128xi32>,
    %swap3A_145 = arith.constant 0 : index
    %swap3A_146 = arith.constant 0 : index
    %swap3A_147 = vector.load %arg3[%swap3A_145, %swap3A_146] : memref<512x128xi32, #tpu.memory_space<vmem>>, vector<512x128xi32>
    %swap3A_148 = arith.extui %and3A_128 : vector<512x128xi1> to vector<512x128xi32>
    %swap3A_149 = arith.constant dense<0> : vector<512x128xi32>
    %swap3A_150 = arith.cmpi ne, %swap3A_147, %swap3A_149 : vector<512x128xi32>
    tpu.vector_store %arg3[%swap3A_145, %swap3A_146], %swap3A_148 {strides = array<i32>} : memref<512x128xi32, #tpu.memory_space<vmem>>, vector<512x128xi32>,
    return
  }
  func.func @transform_0(%arg0: i32) -> i32 {
    %c0_i32 = arith.constant 0 : i32
    %c0_i32_0 = arith.constant 0 : i32
    return %c0_i32 : i32
  }
  func.func @transform_1(%arg0: i32) -> (i32, i32) {
    %c0_i32 = arith.constant 0 : i32
    %c0_i32_0 = arith.constant 0 : i32
    return %arg0, %c0_i32 : i32, i32
  }
  func.func @transform_2(%arg0: i32) -> (i32, i32) {
    %c0_i32 = arith.constant 0 : i32
    %c0_i32_0 = arith.constant 0 : i32
    return %arg0, %c0_i32 : i32, i32
  }
}

</mosaic_0001>

<sc_bundles>
// kernel: kernel.4.cloned.1.call-start
scs
__scs_entry_jumppad:
0x0: {  	(pc) =	sbr.rel $0x88, $3  }
0x1: {  	(tag) =	ssettag $0x0;
	lr =	simm.s32 $0x1  }
0x2: {  	[smem:$0x3F9E] =	sst lr;
	_ =	strace $0xD0000000  }
0x3: {  	_ = 	snop  }
0x4: {  	_ = 	snop  }
0x5: {  	_ = 	snop  }
0x6: {  	_ = 	snop  }
0x7: {  	_ = 	snop  }
__scs_overlays_trampoline_lowered:
0x8: {  	[smem:$0x3FAD] =	sst s0  }
0x9: {  	[smem:$0x3FAE] =	sst s1  }
0xa: {  	[smem:$0x3FAF] =	sst s2  }
0xb: {  	[smem:$0x3FB0] =	sst s3  }
0xc: {  	[smem:$0x3FB1] =	sst s4  }
0xd: {  	[smem:$0x3FB2] =	sst s5  }
0xe: {  	[smem:$0x3FB3] =	sst s6  }
0xf: {  	[smem:$0x3FB4] =	sst s7  }
0x10: {  	[smem:$0x3FB5] =	sst s8  }
0x11: {  	[smem:$0x3FB6] =	sst s9;
	s0 =	simm.s32 @!p0 $0x0  }
0x12: {  	s1 =	sld [smem:$0x3F9C];
	s0 =	simm.s32 @p0 $0x1  }
0x13: {  	[smem:$0x3FB7] =	sst s0;
	s0 =	simm.s32 @!p1 $0x0  }
0x14: {  	s2 =	sld [smem:$0x3F9B];
	s0 =	simm.s32 @p1 $0x1  }
0x15: {  	[smem:$0x3FB8] =	sst s0;
	s0 =	simm.s32 @!p2 $0x0  }
0x16: {  	s3 =	sld [smem:$0x3FDB];
	s0 =	simm.s32 @p2 $0x1  }
0x17: {  	s4 =	simm.s32 $0x1BF5;
	[smem:$0x3FBA] =	sst s0  }
0x18: {  	s0 =	sld [smem:$0x3F9D];
	_ =	swait.ge [sflag:s4], $0x0  }
0x19: {  	s7 =	sld [smem:$0x3F9E]  }
0x1a: {  	s8 =	sadd.s32 $0xFFFFE003, lr  }
0x1b: {  	s9 =	sadd.s32 $0xFFFFFEF7, lr;
	s5 =	simm.s32 $0xFFFFFFFF;
	p2 =	slt.u32 s8, $0xFFFFF086  }
0x1c: {  	p1 =	slt.u32 s9, $0xF7A;
	s5 =	simm.s32 @!p2 $0x0  }
0x1d: {  	s5 =	simm.s32 @p1 $0x1;
	p0 =	seq.s32 s7, s2  }
0x1e: {  	s7 =	smul.u32 @!p0 $0xF7A, s2;
	p2 =	seq.s32 @!p0 s5, $0x0  }
0x1f: {  	s9 =	smul.u32 $0xF7A, s1;
	s8 =	simm.s32 @!p0 $0x1BF5;
	p2 =	por !p2, p0  }
0x20: {  	[sflag:s8] =	ssyncset.s32 @!p0 $0xFFFFF086;
	s6 =	sadd.s32 @!p0 s3, s7;
	s7 =	simm.s32 @!p0 $0x108  }
0x21: {  	s3 =	sadd.s32 s3, s9;
	s6 =	sadd.s32 @!p0 $0x88, s6;
	s7 =	simm.s32 @p2 $0x1082  }
0x22: {  	[simem:s7], [sflag:s8] =	dma.local @!p0 [hbm:s6], $0xF7A  }
0x23: {  	s9 =	sor.u32 $0xD0000000, s2;
	s6 =	simm.s32 $0x108;
	_ =	swait.ge @!p0 [sflag:s8], $0x0  }
0x24: {  	s3 =	sadd.s32 $0x88, s3;
	s6 =	simm.s32 @!p1 $0x1082;
	[sflag:s4] =	ssyncset.s32 $0xFFFFF086  }
0x25: {  	[simem:s6], [sflag:s4] =	dma.local [hbm:s3], $0xF7A  }
0x26: {  	[smem:$0x3F9E] =	sst s1;
	(tag) =	ssettag s2;
	_ =	strace s9  }
0x27: {  	s1 =	sld [smem:$0x3FAE]  }
0x28: {  	s2 =	sld [smem:$0x3FAF]  }
0x29: {  	s4 =	sld [smem:$0x3FB1]  }
0x2a: {  	p0 =	seq.s32 s5, $0x0;
	s5 =	sld [smem:$0x3FB2]  }
0x2b: {  	s6 =	sld [smem:$0x3FB3]  }
0x2c: {  	s7 =	sld [smem:$0x3FB4]  }
0x2d: {  	s3 =	simm.s32 $0x108;
	s8 =	sld [smem:$0x3FB5]  }
0x2e: {  	s3 =	simm.s32 @!p0 $0x1082;
	s9 =	sld [smem:$0x3FB6]  }
0x2f: {  	lr =	sadd.s32 s0, s3;
	s0 =	sld [smem:$0x3FAD]  }
0x30: {  	s3 =	sld [smem:$0x3FB0]  }
0x31: {  	[smem:$0x3FB9] =	sst s10  }
0x32: {  	s10 =	sld [smem:$0x3FB7];
	_ =	sdelay $0x3  }
0x33: {  	p0 =	seq.s32 s10, $0x1;
	s10 =	sld [smem:$0x3FB9];
	_ =	sdelay $0x3  }
0x34: {  	[smem:$0x3FB9] =	sst s10  }
0x35: {  	s10 =	sld [smem:$0x3FB8];
	_ =	sdelay $0x3  }
0x36: {  	p1 =	seq.s32 s10, $0x1;
	s10 =	sld [smem:$0x3FB9];
	_ =	sdelay $0x3  }
0x37: {  	[smem:$0x3FB9] =	sst s10  }
0x38: {  	s10 =	sld [smem:$0x3FBA]  }
0x39: {  	_ = 	snop;
	(pc) =	sbr.ind lr, $3  }
0x3a: {  	_ = 	snop  }
0x3b: {  	_ = 	snop  }
0x3c: {  	p2 =	seq.s32 s10, $0x1;
	s10 =	sld [smem:$0x3FB9]  }
0x3d: {  	_ =	shalt  }
0x3e: {  	_ =	shalt  }
0x3f: {  	_ =	shalt  }
0x40: {  	_ =	shalt  }
0x41: {  	_ =	shalt  }
0x42: {  	_ =	shalt  }
0x43: {  	_ =	shalt  }
0x44: {  	_ =	shalt  }
0x45: {  	_ =	shalt  }
0x46: {  	_ =	shalt  }
0x47: {  	_ =	shalt  }
0x48: {  	_ =	shalt  }
0x49: {  	_ =	shalt  }
0x4a: {  	_ =	shalt  }
0x4b: {  	_ =	shalt  }
0x4c: {  	_ =	shalt  }
0x4d: {  	_ =	shalt  }
0x4e: {  	_ =	shalt  }
0x4f: {  	_ =	shalt  }
0x50: {  	_ =	shalt  }
0x51: {  	_ =	shalt  }
0x52: {  	_ =	shalt  }
0x53: {  	_ =	shalt  }
0x54: {  	_ =	shalt  }
0x55: {  	_ =	shalt  }
0x56: {  	_ =	shalt  }
0x57: {  	_ =	shalt  }
0x58: {  	_ =	shalt  }
0x59: {  	_ =	shalt  }
0x5a: {  	_ =	shalt  }
0x5b: {  	_ =	shalt  }
0x5c: {  	_ =	shalt  }
0x5d: {  	_ =	shalt  }
0x5e: {  	_ =	shalt  }
0x5f: {  	_ =	shalt  }
0x60: {  	_ =	shalt  }
0x61: {  	_ =	shalt  }
0x62: {  	_ =	shalt  }
0x63: {  	_ =	shalt  }
0x64: {  	_ =	shalt  }
0x65: {  	_ =	shalt  }
0x66: {  	_ =	shalt  }
0x67: {  	_ =	shalt  }
0x68: {  	_ =	shalt  }
0x69: {  	_ =	shalt  }
0x6a: {  	_ =	shalt  }
0x6b: {  	_ =	shalt  }
0x6c: {  	_ =	shalt  }
0x6d: {  	_ =	shalt  }
0x6e: {  	_ =	shalt  }
0x6f: {  	_ =	shalt  }
0x70: {  	_ =	shalt  }
0x71: {  	_ =	shalt  }
0x72: {  	_ =	shalt  }
0x73: {  	_ =	shalt  }
0x74: {  	_ =	shalt  }
0x75: {  	_ =	shalt  }
0x76: {  	_ =	shalt  }
0x77: {  	_ =	shalt  }
0x78: {  	_ =	shalt  }
0x79: {  	_ =	shalt  }
0x7a: {  	_ =	shalt  }
0x7b: {  	_ =	shalt  }
0x7c: {  	_ =	shalt  }
0x7d: {  	_ =	shalt  }
0x7e: {  	_ =	shalt  }
0x7f: {  	_ =	shalt  }
0x80: {  	_ =	shalt  }
0x81: {  	_ =	shalt  }
0x82: {  	_ =	shalt  }
0x83: {  	_ =	shalt  }
0x84: {  	_ =	shalt  }
0x85: {  	_ =	shalt  }
0x86: {  	_ =	shalt  }
0x87: {  	_ =	shalt  }
.Lfunc_end0:
.L_simem_size_0:
called_computation_lowered:
.L_overlay_start_0:
0x88: {  	s2 =	sld [smem:$0x3FD9]  }
0x89: {  	s3 =	sld [smem:$0x3FFE];
	_ =	sdelay $0x1  }
0x8a: {  	s1 =	srdreg.scid  }
0x8b: {  	s0 =	sand.u32 $0x1, s1  }
0x8c: {  	s14 =	sshll.u32 s0, $0xA;
	s2 =	sadd.s32 s3, s2  }
0x8d: {  	s2 =	sadd.s32 s2, s14  }
0x8e: {  	[smem:$0x3FC5] =	sst s2  }
0x8f: {  	_ = 	snop  }
0x90: {  	s2 =	sld [smem:$0x3FD0];
	_ =	sdelay $0x2  }
0x91: {  	s15 =	simm.s32 $0xA;
	s4 =	simm.s32 $0x10  }
0x92: {  	[smem:s4], [sflag:s15] =	dma.local [hbm:s2], $0x1  }
0x93: {  	_ =	swait.eq [sflag:s15], $0x1  }
0x94: {  	[sflag:s15] =	ssyncset.done $0x0  }
0x95: {  	[sflag:s15] =	ssyncadd.s32 $0xFFFFFFFF  }
0x96: {  	s16 =	sld [smem:$0x10];
	(tm) =	ssettm $0x1  }
0x97: {  	s17 =	sld [smem:$0x3FFB];
	_ =	sdelay $0x3  }
0x98: {  	_ =	strace s17  }
0x99: {  	s3 =	sld [smem:$0x3FFC];
	_ =	sdelay $0x3  }
0x9a: {  	_ =	strace s3  }
0x9b: {  	s3 =	sld [smem:$0x3FFD];
	_ =	sdelay $0x3  }
0x9c: {  	_ =	strace s3  }
0x9d: {  	_ =	strace $0x8FFFFFFF  }
0x9e: {  	s18 =	sld [smem:$0x3FDB];
	_ =	sdelay $0x1  }
0x9f: {  	s19 =	simm.s32 $_scs_section_size  }
0xa0: {  	s5 =	simm.s32 $_size__tile_overlayer_lowered;
	s6 =	simm.s32 $_tile_overlayer_lowered  }
0xa1: {  	s22 =	simm.s32 $0x1BFF;
	s21 =	sshll.u32 s6, $0x1;
	s3 =	sadd.s32 s19, s18  }
0xa2: {  	s7 =	simm.s32 $0x0;
	s20 =	sshll.u32 s5, $0x1;
	s5 =	sadd.s32 s21, s3  }
0xa3: {  	[timem:s7], [sflag:s22] =	dma.local [hbm:s5], s20  }
0xa4: {  	_ =	swait.ge [sflag:s22], s20  }
0xa5: {  	s4 =	ssub.s32 $0x0, s20;
	[sflag:s22] =	ssyncset.done $0x0  }
0xa6: {  	[sflag:s22] =	ssyncadd.s32 s4;
	_ =	sdelay $0x1  }
0xa7: {  	s23 =	simm.s32 $0x1B8B  }
0xa8: {  	_ =	swait.ge [sflag:s23], $0x1  }
0xa9: {  	[sflag:s23] =	ssyncset.done $0x0  }
0xaa: {  	s25 =	simm.s32 $0x1B8E;
	s24 =	sld [smem:$0x3FFE];
	[sflag:s23] =	ssyncadd.s32 $0xFFFFFFFF  }
0xab: {  	s26 =	simm.s32 $execute0_lowered;
	[smem:$0x3FD2] =	sst s25  }
0xac: {  	s5 =	sshll.u32 s26, $0x1;
	_ =	strace $0x80000046;
	[dreg:$0x1] =	wrdreg $0xFFFFFFFF  }
0xad: {  	s28 =	simm.s32 $_size_execute0_lowered;
	s3 =	sadd.s32 s3, s5;
	[dreg:$0x0] =	wrdreg $0x0  }
0xae: {  	s5 =	sshll.u32 s28, $0x1;
	[dreg:$0x2] =	wrdreg s3  }
0xaf: {  	[dreg:$0x3] =	wrdreg s5  }
0xb0: {  	[dreg:$0x4] =	wrdreg $0xC0  }
0xb1: {  	_ =	task [dreg:s7], $0x5FFFF  }
0xb2: {  	[dreg:$0x1] =	wrdreg $0xFFFFFFFF  }
0xb3: {  	[dreg:$0x0] =	wrdreg $0x60  }
0xb4: {  	[dreg:$0x2] =	wrdreg s24  }
0xb5: {  	[dreg:$0x3] =	wrdreg s16  }
0xb6: {  	[dreg:$0x4] =	wrdreg $0x9  }
0xb7: {  	_ =	task.clear_ibuf [dreg:s7], $0x5FFFF;
	_ =	strace $0x90000046  }
0xb8: {  	s29 =	simm.s32 $0x9;
	_ =	strace $0x80000048  }
0xb9: {  	_ =	swait.ge [sflag:s29], $0x1  }
0xba: {  	[sflag:s29] =	ssyncadd.s32 $0xFFFFFFFF  }
0xbb: {  	_ =	strace $0x90000048  }
0xbc: {  	_ =	sfence  }
0xbd: {  	s30 =	sld [smem:$0x0];
	_ =	sdelay $0x2  }
0xbe: {  	s31 =	sshll.u32 s1, $0xD;
	s1 =	sshrl.u32 s1, $0x2  }
0xbf: {  	s3 =	sand.u32 $0x4000, s31;
	s1 =	sadd.s32 s1, s30  }
0xc0: {  	s0 =	sor.u32 s3, s0;
	s1 =	sshll.u32 s1, $0x11  }
0xc1: {  	s0 =	sor.u32 s1, s0  }
0xc2: {  	s0 =	sadd.s32 $0x8F2B, s0  }
0xc3: {  	[sflag:s0] =	ssyncadd.remote.s32 $0x1  }
0xc4: {  	_ =	sfence.sel $0xFFFF  }
0xc5: {  	[dreg:$0x0] =	wrdreg $0xFFFFFFFF;
	(pc) =	sbr.abs _section_cstart, $3  }
0xc6: {  	[dreg:$0x1] =	wrdreg $0xFFFFFFFF  }
0xc7: {  	_ =	task.clear_ibuf [dreg:s7], $0x2FFFF;
	_ =	strace $0x9FFFFFFF  }
0xc8: {  	(tm) =	ssettm $0x7FFFFFFF  }
0xc9: {  	_ =	shalt  }
tec
execute0_lowered:
.L_overlay_start_1:
0x0: {  	(tag) =	ssettag $0x1  }
0x1: {  	s0 =	rddreg [dreg:$0x0]  }
0x2: {  	s2 =	rddreg [dreg:$0x1];
	s10 =	stileid.u32  }
0x3: {  	s3 =	simm.s32 $0x0;
	s1 =	srdreg.scid;
	s17 =	simm.s32 $0x4  }
0x4: {  	s18 =	simm.s32 $0x4C00;
	s19 =	simm.s32 $0x9800;
	s20 =	simm.s32 $0xE400  }
0x5: {  	s22 =	simm.s32 $0x1;
	s23 =	simm.s32 $0x14000;
	s24 =	simm.s32 $0x2  }
0x6: {  	s25 =	simm.s32 $0x3;
	s26 =	simm.s32 $0x0;
	s4 =	sshll.u32 s10, $0x1  }
0x7: {  	[smem:$0x7FF] =	sst s3;
	s1 =	sand.u32 $0x1, s1;
	s5 =	sadd.s32 $0x800, s0  }
0x8: {  	s30 =	sshll.u32 s10, $0x10;
	s4 =	sand.u32 $0x6, s4;
	_ =	strace $0x80000047  }
0x9: {  	s12 =	sor.u32 s1, s4;
	s4 =	sadd.s32 $0x13600, s0;
	s1 =	ssub.s32 $0x2, s1  }
0xa: {  	s6 =	sshll.u32 s12, $0x2;
	s7 =	sshrl.u32 s1, $0x1;
	s8 =	smul.u32 $0x25BC, s12  }
0xb: {  	s15 =	sshllo.u32 s12, $0x2;
	s12 =	sshll.u32 s12, $0x16;
	s13 =	sor.u32 $0x1, s6  }
0xc: {  	s1 =	ssub.s32 s1, s7;
	s14 =	sor.u32 $0x2, s6;
	s31 =	smul.u32 $0x96F, s15  }
0xd: {  	s6 =	sand.u32 $0xC0000, s30;
	s15 =	sshll.u32 s15, $0x14;
	s29 =	smul.u32 $0x96F, s13  }
0xe: {  	s9 =	smul.u32 $0x96F, s14;
	s8 =	sadd.s32 s5, s8;
	s11 =	sshrl.u32 s6, $0x3  }
0xf: {  	s13 =	sshll.u32 s13, $0x14;
	s14 =	sshll.u32 s14, $0x14;
	s16 =	smax.u32 s1, $0x1  }
0x10: {  	[dreg:$0x3] =	wrdreg s8;
	s10 =	sadd.s32 s4, s11;
	s11 =	sadd.s32 $0x13800, s0  }
0x11: {  	v0 =	vimm.f32 $0.0e+00;
	s7 =	sadd.s32 s5, s29;
	s8 =	sadd.s32 s5, s9;
	s9 =	sadd.s32 s5, s31  }
.LBB2_1:
0x12: {  	s0 =	rddreg [dreg:$0x3]  }
0x13: {  	[tilespmem:s3], [sflag:$0x4] =	stream.linear.gather [hbm4b:s0+s3], $0x4B78, $0x38;
	[tilespmem:$0x1D000] =	vst v63  }
0x14: {  	_ =	swait.ge [sflag:s17], $0x4B78  }
0x15: {  	[sflag:s17] =	ssyncset.done $0x0  }
0x16: {  	[sflag:s17] =	ssyncadd.s32 $0xFFFFB488  }
0x17: {  	[tilespmem:$0x4B78] =	vst v0  }
0x18: {  	[tilespmem:s18], [sflag:$0x4] =	stream.linear.gather [hbm4b:s7+s3], $0x4B78, $0x38;
	[tilespmem:$0x1D000] =	vst v63  }
0x19: {  	_ =	swait.ge [sflag:s17], $0x4B78  }
0x1a: {  	[sflag:s17] =	ssyncset.done $0x0  }
0x1b: {  	[sflag:s17] =	ssyncadd.s32 $0xFFFFB488  }
0x1c: {  	[tilespmem:$0x9778] =	vst v0  }
0x1d: {  	[tilespmem:s19], [sflag:$0x4] =	stream.linear.gather [hbm4b:s8+s3], $0x4B78, $0x38;
	[tilespmem:$0x1D000] =	vst v63  }
0x1e: {  	_ =	swait.ge [sflag:s17], $0x4B78  }
0x1f: {  	[sflag:s17] =	ssyncset.done $0x0  }
0x20: {  	[sflag:s17] =	ssyncadd.s32 $0xFFFFB488  }
0x21: {  	[tilespmem:$0xE378] =	vst v0  }
0x22: {  	[tilespmem:s20], [sflag:$0x4] =	stream.linear.gather [hbm4b:s9+s3], $0x4B78, $0x38;
	[tilespmem:$0x1D000] =	vst v63  }
0x23: {  	_ =	swait.ge [sflag:s17], $0x4B78  }
0x24: {  	[sflag:s17] =	ssyncset.done $0x0  }
0x25: {  	[sflag:s17] =	ssyncadd.s32 $0xFFFFB488  }
0x26: {  	s31 =	simm.s32 $0x13000;
	s28 =	simm.s32 $0x0;
	[tilespmem:$0x12F78] =	vst v0  }
0x27: {  	[tilespmem:s31], [sflag:$0x1] =	stream.linear.gather [hbm4b:s10+s3], $0x1000, $0x38;
	[tilespmem:$0x1D000] =	vst v63  }
.LBB2_2:
0x28: {  	s0 =	sshll.u32 s28, $0xD  }
0x29: {  	_ =	swait.ge [sflag:s22], $0x1000;
	s29 =	sadd.s32 s6, s0  }
0x2a: {  	[sflag:s22] =	ssyncset.done $0x0;
	s0 =	sshrl.u32 s29, $0x3  }
0x2b: {  	p0 =	seq.s32 s28, $0x0;
	[sflag:s22] =	ssyncadd.s32 $0xFFFFF000;
	s0 =	sadd.s32 s0, s11  }
0x2c: {  	[tilespmem:s23], [sflag:$0x1] =	stream.linear.gather [hbm4b:s0+s3], $0x1000, $0x38;
	[tilespmem:$0x1D000] =	vst v63  }
0x2d: {  	s0 =	simm.s32 @!p0 $0x2  }
0x2e: {  	_ =	swait.ge @!p0 [sflag:s0], $0x1000  }
0x2f: {  	[sflag:s0] =	ssyncset.done @!p0 $0x0  }
0x30: {  	[sflag:s0] =	ssyncadd.s32 @!p0 $0xFFFFF000  }
0x31: {  	_ =	swait.ge @!p0 [sflag:s0], $0x1000  }
0x32: {  	[sflag:s0] =	ssyncset.done @!p0 $0x0  }
0x33: {  	[sflag:s0] =	ssyncadd.s32 @!p0 $0xFFFFF000  }
0x34: {  	_ =	swait.ge @!p0 [sflag:s0], $0x1000  }
0x35: {  	[sflag:s0] =	ssyncset.done @!p0 $0x0  }
0x36: {  	[sflag:s0] =	ssyncadd.s32 @!p0 $0xFFFFF000  }
0x37: {  	_ =	swait.ge @!p0 [sflag:s0], $0x1000  }
0x38: {  	[sflag:s0] =	ssyncset.done @!p0 $0x0  }
0x39: {  	s21 =	simm.s32 $0x13040;
	[sflag:s0] =	ssyncadd.s32 @!p0 $0xFFFFF000  }
0x3a: {  	v1 =	vld [tilespmem:s21+$0x30]  }
0x3b: {  	v2 =	vld [tilespmem:s21+$0xFFFFFFD0]  }
0x3c: {  	v3 =	vld [tilespmem:s21+$0xFFFFFFE0]  }
0x3d: {  	v4 =	vld [tilespmem:s21+$0xFFFFFFF0]  }
0x3e: {  	v5 =	vld [tilespmem:s21+$0x0]  }
0x3f: {  	v6 =	vld [tilespmem:s21+$0x10]  }
0x40: {  	v7 =	vld [tilespmem:s21+$0x20]  }
0x41: {  	v8 =	vld [tilespmem:s21+$0xFFFFFFC0]  }
0x42: {  	v9 =	vld.idx.msk [tilespmem:v1+s3+$0x0], $0xffff  }
0x43: {  	v10 =	vld.idx.msk [tilespmem:v2+s3+$0x0], $0xffff  }
0x44: {  	v11 =	vld.idx.msk [tilespmem:v3+s3+$0x0], $0xffff  }
0x45: {  	v12 =	vld.idx.msk [tilespmem:v4+s3+$0x0], $0xffff  }
0x46: {  	v13 =	vld.idx.msk [tilespmem:v5+s3+$0x0], $0xffff  }
0x47: {  	s31 =	simm.s32 $0x15100;
	v14 =	vld.idx.msk [tilespmem:v6+s3+$0x0], $0xffff  }
0x48: {  	v15 =	vld.idx.msk [tilespmem:v7+s3+$0x0], $0xffff;
	[tilespmem:s31+$0xFFFFFF70] =	vst v9  }
0x49: {  	v50 =	vld.idx.msk [tilespmem:v8+s3+$0x0], $0xffff;
	[tilespmem:s31+$0xFFFFFF10] =	vst v10  }
0x4a: {  	[tilespmem:s31+$0xFFFFFF20] =	vst v11;
	v9 =	vld.idx.msk [tilespmem:v1+s18+$0x0], $0xffff  }
0x4b: {  	[tilespmem:s31+$0xFFFFFF30] =	vst v12;
	v51 =	vld.idx.msk [tilespmem:v2+s18+$0x0], $0xffff  }
0x4c: {  	[tilespmem:s31+$0xFFFFFF40] =	vst v13;
	v52 =	vld.idx.msk [tilespmem:v3+s18+$0x0], $0xffff  }
0x4d: {  	[tilespmem:s31+$0xFFFFFF50] =	vst v14;
	v53 =	vld.idx.msk [tilespmem:v4+s18+$0x0], $0xffff  }
0x4e: {  	[tilespmem:s31+$0xFFFFFF60] =	vst v15;
	v54 =	vld.idx.msk [tilespmem:v5+s18+$0x0], $0xffff  }
0x4f: {  	[tilespmem:s31+$0xFFFFFF00] =	vst v50;
	v55 =	vld.idx.msk [tilespmem:v6+s18+$0x0], $0xffff  }
0x50: {  	v10 =	vld.idx.msk [tilespmem:v8+s18+$0x0], $0xffff;
	[tilespmem:s31+$0xFFFFFFF0] =	vst v9  }
0x51: {  	v56 =	vld.idx.msk [tilespmem:v7+s18+$0x0], $0xffff;
	[tilespmem:s31+$0xFFFFFF90] =	vst v51  }
0x52: {  	[tilespmem:s31+$0xFFFFFFA0] =	vst v52;
	v9 =	vld.idx.msk [tilespmem:v1+s19+$0x0], $0xffff  }
0x53: {  	[tilespmem:s31+$0xFFFFFFB0] =	vst v53;
	v57 =	vld.idx.msk [tilespmem:v2+s19+$0x0], $0xffff  }
0x54: {  	[tilespmem:s31+$0xFFFFFFC0] =	vst v54;
	v58 =	vld.idx.msk [tilespmem:v3+s19+$0x0], $0xffff  }
0x55: {  	[tilespmem:s31+$0xFFFFFFD0] =	vst v55;
	v59 =	vld.idx.msk [tilespmem:v4+s19+$0x0], $0xffff  }
0x56: {  	[tilespmem:s31+$0xFFFFFF80] =	vst v10;
	v60 =	vld.idx.msk [tilespmem:v5+s19+$0x0], $0xffff  }
0x57: {  	[tilespmem:s31+$0xFFFFFFE0] =	vst v56;
	v10 =	vld.idx.msk [tilespmem:v8+s19+$0x0], $0xffff  }
0x58: {  	v61 =	vld.idx.msk [tilespmem:v6+s19+$0x0], $0xffff;
	[tilespmem:s31+$0x70] =	vst v9  }
0x59: {  	v62 =	vld.idx.msk [tilespmem:v7+s19+$0x0], $0xffff;
	[tilespmem:s31+$0x10] =	vst v57  }
0x5a: {  	[tilespmem:s31+$0x20] =	vst v58;
	v9 =	vld.idx.msk [tilespmem:v1+s20+$0x0], $0xffff  }
0x5b: {  	[tilespmem:s31+$0x30] =	vst v59;
	v63 =	vld.idx.msk [tilespmem:v2+s20+$0x0], $0xffff  }
0x5c: {  	[tilespmem:s31+$0x40] =	vst v60;
	v1 =	vld.idx.msk [tilespmem:v3+s20+$0x0], $0xffff  }
0x5d: {  	[tilespmem:s31+$0x0] =	vst v10;
	v2 =	vld.idx.msk [tilespmem:v4+s20+$0x0], $0xffff  }
0x5e: {  	[tilespmem:s31+$0x50] =	vst v61;
	v5 =	vld.idx.msk [tilespmem:v5+s20+$0x0], $0xffff  }
0x5f: {  	[tilespmem:s31+$0x60] =	vst v62;
	v3 =	vld.idx.msk [tilespmem:v8+s20+$0x0], $0xffff  }
0x60: {  	v4 =	vld.idx.msk [tilespmem:v6+s20+$0x0], $0xffff;
	[tilespmem:s31+$0xF0] =	vst v9  }
0x61: {  	s30 =	sshll.u32 s28, $0x1;
	s1 =	simm.s32 $0x130C0;
	s0 =	simm.s32 $0x0;
	v6 =	vld.idx.msk [tilespmem:v7+s20+$0x0], $0xffff;
	[tilespmem:s31+$0x90] =	vst v63  }
.LBB2_3:
0x62: {  	v7 =	vld [tilespmem:s1+$0x30];
	s0 =	sadd.s32 $0x8, s0;
	[tilespmem:s31+$0xA0] =	vst v1  }
0x63: {  	v1 =	vld [tilespmem:s1+$0xFFFFFFD0];
	p1 =	slt.u32 s0, $0xF8;
	[tilespmem:s31+$0xB0] =	vst v2  }
0x64: {  	v2 =	vld [tilespmem:s1+$0xFFFFFFE0];
	[tilespmem:s31+$0xC0] =	vst v5  }
0x65: {  	v5 =	vld [tilespmem:s1+$0xFFFFFFF0];
	[tilespmem:s31+$0x80] =	vst v3  }
0x66: {  	v3 =	vld [tilespmem:s1+$0x0];
	[tilespmem:s31+$0xD0] =	vst v4  }
0x67: {  	v4 =	vld [tilespmem:s1+$0x10];
	[tilespmem:s31+$0xE0] =	vst v6  }
0x68: {  	v6 =	vld [tilespmem:s1+$0x20]  }
0x69: {  	v8 =	vld [tilespmem:s1+$0xFFFFFFC0]  }
0x6a: {  	v9 =	vld.idx.msk [tilespmem:v7+s3+$0x0], $0xffff  }
0x6b: {  	v10 =	vld.idx.msk [tilespmem:v1+s3+$0x0], $0xffff  }
0x6c: {  	v11 =	vld.idx.msk [tilespmem:v2+s3+$0x0], $0xffff  }
0x6d: {  	v12 =	vld.idx.msk [tilespmem:v5+s3+$0x0], $0xffff  }
0x6e: {  	v13 =	vld.idx.msk [tilespmem:v3+s3+$0x0], $0xffff  }
0x6f: {  	s31 =	sadd.s32 $0x200, s31;
	v14 =	vld.idx.msk [tilespmem:v4+s3+$0x0], $0xffff  }
0x70: {  	v15 =	vld.idx.msk [tilespmem:v6+s3+$0x0], $0xffff;
	[tilespmem:s31+$0xFFFFFF70] =	vst v9  }
0x71: {  	[tilespmem:s31+$0xFFFFFF10] =	vst v10;
	v9 =	vld.idx.msk [tilespmem:v7+s18+$0x0], $0xffff  }
0x72: {  	v10 =	vld.idx.msk [tilespmem:v8+s3+$0x0], $0xffff;
	[tilespmem:s31+$0xFFFFFF20] =	vst v11  }
0x73: {  	v11 =	vld.idx.msk [tilespmem:v1+s18+$0x0], $0xffff;
	[tilespmem:s31+$0xFFFFFF30] =	vst v12  }
0x74: {  	v12 =	vld.idx.msk [tilespmem:v2+s18+$0x0], $0xffff;
	[tilespmem:s31+$0xFFFFFF40] =	vst v13  }
0x75: {  	v13 =	vld.idx.msk [tilespmem:v5+s18+$0x0], $0xffff;
	[tilespmem:s31+$0xFFFFFF50] =	vst v14  }
0x76: {  	v14 =	vld.idx.msk [tilespmem:v3+s18+$0x0], $0xffff;
	[tilespmem:s31+$0xFFFFFF60] =	vst v15  }
0x77: {  	v15 =	vld.idx.msk [tilespmem:v4+s18+$0x0], $0xffff;
	[tilespmem:s31+$0xFFFFFFF0] =	vst v9  }
0x78: {  	[tilespmem:s31+$0xFFFFFF00] =	vst v10;
	v9 =	vld.idx.msk [tilespmem:v7+s19+$0x0], $0xffff  }
0x79: {  	v10 =	vld.idx.msk [tilespmem:v8+s18+$0x0], $0xffff;
	[tilespmem:s31+$0xFFFFFF90] =	vst v11  }
0x7a: {  	[tilespmem:s31+$0xFFFFFFA0] =	vst v12;
	v11 =	vld.idx.msk [tilespmem:v6+s18+$0x0], $0xffff  }
0x7b: {  	v12 =	vld.idx.msk [tilespmem:v1+s19+$0x0], $0xffff;
	[tilespmem:s31+$0xFFFFFFB0] =	vst v13  }
0x7c: {  	v13 =	vld.idx.msk [tilespmem:v2+s19+$0x0], $0xffff;
	[tilespmem:s31+$0xFFFFFFC0] =	vst v14  }
0x7d: {  	v14 =	vld.idx.msk [tilespmem:v5+s19+$0x0], $0xffff;
	[tilespmem:s31+$0xFFFFFFD0] =	vst v15  }
0x7e: {  	v15 =	vld.idx.msk [tilespmem:v3+s19+$0x0], $0xffff;
	[tilespmem:s31+$0x70] =	vst v9  }
0x7f: {  	[tilespmem:s31+$0xFFFFFF80] =	vst v10;
	v7 =	vld.idx.msk [tilespmem:v7+s20+$0x0], $0xffff  }
0x80: {  	v9 =	vld.idx.msk [tilespmem:v8+s19+$0x0], $0xffff;
	[tilespmem:s31+$0xFFFFFFE0] =	vst v11  }
0x81: {  	[tilespmem:s31+$0x10] =	vst v12;
	v10 =	vld.idx.msk [tilespmem:v4+s19+$0x0], $0xffff  }
0x82: {  	[tilespmem:s31+$0x20] =	vst v13;
	v11 =	vld.idx.msk [tilespmem:v6+s19+$0x0], $0xffff  }
0x83: {  	v12 =	vld.idx.msk [tilespmem:v1+s20+$0x0], $0xffff;
	[tilespmem:s31+$0x30] =	vst v14  }
0x84: {  	v1 =	vld.idx.msk [tilespmem:v2+s20+$0x0], $0xffff;
	[tilespmem:s31+$0x40] =	vst v15  }
.Ltmp0:
0x85: {  	v2 =	vld.idx.msk [tilespmem:v5+s20+$0x0], $0xffff;
	[tilespmem:s31+$0xF0] =	vst v7;
	(pc) =	sbr.rel @p1 .LBB2_3-.Ltmp0, $4  }
0x86: {  	[tilespmem:s31+$0x0] =	vst v9;
	v5 =	vld.idx.msk [tilespmem:v3+s20+$0x0], $0xffff  }
0x87: {  	v3 =	vld.idx.msk [tilespmem:v8+s20+$0x0], $0xffff;
	[tilespmem:s31+$0x50] =	vst v10  }
0x88: {  	v4 =	vld.idx.msk [tilespmem:v4+s20+$0x0], $0xffff;
	[tilespmem:s31+$0x60] =	vst v11  }
0x89: {  	s1 =	sadd.s32 $0x80, s1;
	[tilespmem:s31+$0x90] =	vst v12;
	v6 =	vld.idx.msk [tilespmem:v6+s20+$0x0], $0xffff  }
0x8a: {  	[tilespmem:s31+$0xA0] =	vst v1  }
0x8b: {  	[tilespmem:s31+$0xB0] =	vst v2  }
0x8c: {  	s0 =	sor.u32 s12, s29;
	[tilespmem:s31+$0xC0] =	vst v5  }
0x8d: {  	s0 =	sshrl.u32 s0, $0x3;
	[tilespmem:s31+$0x80] =	vst v3  }
0x8e: {  	s1 =	simm.s32 $0x15000;
	s0 =	sadd.s32 s2, s0;
	[tilespmem:s31+$0xD0] =	vst v4  }
0x8f: {  	s21 =	simm.s32 $0x15200;
	s5 =	sadd.s32 $0x0, s0;
	[tilespmem:s31+$0xE0] =	vst v6;
	s31 =	simm.s32 $0x10  }
.LBB2_5:
0x90: {  	[hbm4b:s5+s3] =	stream.linear.scatter [tilespmem:s1], [sflag:$0x2], $0x80, $0x38;
	[tilespmem:$0x1D000] =	vst v63  }
0x91: {  	s5 =	smov.u32 s31;
	s1 =	smov.u32 s21;
	p1 =	sne.s32 s31, $0x1F0  }
.Ltmp1:
0x92: {  	s31 =	sadd.s32 $0x10, s31;
	(pc) =	sbr.rel @p1 .LBB2_5-.Ltmp1, $2  }
0x93: {  	_ =	sdelay $0x2  }
0x94: {  	s21 =	sadd.s32 $0x200, s21;
	s5 =	sadd.s32 s5, s0  }
0x95: {  	[hbm4b:s5+s3] =	stream.linear.scatter [tilespmem:s1], [sflag:$0x2], $0x80, $0x38;
	[tilespmem:$0x1D000] =	vst v63  }
0x96: {  	s0 =	sor.u32 s13, s29  }
0x97: {  	s0 =	sshrl.u32 s0, $0x3  }
0x98: {  	s1 =	simm.s32 $0x15080;
	s0 =	sadd.s32 s2, s0  }
0x99: {  	s31 =	simm.s32 $0x10;
	s21 =	simm.s32 $0x15280;
	s5 =	sadd.s32 $0x0, s0  }
.LBB2_7:
0x9a: {  	[hbm4b:s5+s3] =	stream.linear.scatter [tilespmem:s1], [sflag:$0x2], $0x80, $0x38;
	[tilespmem:$0x1D000] =	vst v63  }
0x9b: {  	s5 =	smov.u32 s31;
	s1 =	smov.u32 s21;
	p1 =	sne.s32 s31, $0x1F0  }
.Ltmp2:
0x9c: {  	s31 =	sadd.s32 $0x10, s31;
	(pc) =	sbr.rel @p1 .LBB2_7-.Ltmp2, $2  }
0x9d: {  	_ =	sdelay $0x2  }
0x9e: {  	s21 =	sadd.s32 $0x200, s21;
	s5 =	sadd.s32 s5, s0  }
0x9f: {  	[hbm4b:s5+s3] =	stream.linear.scatter [tilespmem:s1], [sflag:$0x2], $0x80, $0x38;
	[tilespmem:$0x1D000] =	vst v63  }
0xa0: {  	s0 =	sor.u32 s14, s29  }
0xa1: {  	s0 =	sshrl.u32 s0, $0x3  }
0xa2: {  	s1 =	simm.s32 $0x15100;
	s0 =	sadd.s32 s2, s0  }
0xa3: {  	s31 =	simm.s32 $0x10;
	s21 =	simm.s32 $0x15300;
	s5 =	sadd.s32 $0x0, s0  }
.LBB2_9:
0xa4: {  	[hbm4b:s5+s3] =	stream.linear.scatter [tilespmem:s1], [sflag:$0x2], $0x80, $0x38;
	[tilespmem:$0x1D000] =	vst v63  }
0xa5: {  	s5 =	smov.u32 s31;
	s1 =	smov.u32 s21;
	p1 =	sne.s32 s31, $0x1F0  }
.Ltmp3:
0xa6: {  	s31 =	sadd.s32 $0x10, s31;
	(pc) =	sbr.rel @p1 .LBB2_9-.Ltmp3, $2  }
0xa7: {  	_ =	sdelay $0x2  }
0xa8: {  	s21 =	sadd.s32 $0x200, s21;
	s5 =	sadd.s32 s5, s0  }
0xa9: {  	[hbm4b:s5+s3] =	stream.linear.scatter [tilespmem:s1], [sflag:$0x2], $0x80, $0x38;
	[tilespmem:$0x1D000] =	vst v63  }
0xaa: {  	s0 =	sor.u32 s15, s29  }
0xab: {  	s0 =	sshrl.u32 s0, $0x3  }
0xac: {  	s1 =	simm.s32 $0x15180;
	s0 =	sadd.s32 s2, s0  }
0xad: {  	s29 =	simm.s32 $0x10;
	s21 =	simm.s32 $0x15380;
	s5 =	sadd.s32 $0x0, s0  }
.LBB2_11:
0xae: {  	[hbm4b:s5+s3] =	stream.linear.scatter [tilespmem:s1], [sflag:$0x2], $0x80, $0x38;
	[tilespmem:$0x1D000] =	vst v63  }
0xaf: {  	s5 =	smov.u32 s29;
	s1 =	smov.u32 s21;
	p1 =	sne.s32 s29, $0x1F0  }
.Ltmp4:
0xb0: {  	s29 =	sadd.s32 $0x10, s29;
	(pc) =	sbr.rel @p1 .LBB2_11-.Ltmp4, $2  }
0xb1: {  	_ =	sdelay $0x2  }
0xb2: {  	s21 =	sadd.s32 $0x200, s21;
	s5 =	sadd.s32 s5, s0  }
0xb3: {  	[hbm4b:s5+s3] =	stream.linear.scatter [tilespmem:s1], [sflag:$0x2], $0x80, $0x38;
	[tilespmem:$0x1D000] =	vst v63  }
0xb4: {  	s0 =	sor.u32 $0x1, s30  }
0xb5: {  	s21 =	sshll.u32 s0, $0xC  }
0xb6: {  	p1 =	sgt.u32 s0, $0x3E;
	s29 =	sadd.s32 s6, s21  }
0xb7: {  	_ =	swait.ge [sflag:s22], $0x1000;
	s0 =	sshrl.u32 @!p1 s29, $0x3  }
0xb8: {  	[sflag:s22] =	ssyncset.done $0x0;
	s1 =	simm.s32 @!p1 $0x0;
	s0 =	sadd.s32 @!p1 s4, s0  }
0xb9: {  	s5 =	simm.s32 @!p1 $0x13000;
	[sflag:s22] =	ssyncadd.s32 $0xFFFFF000;
	s0 =	sadd.s32 @!p1 $0x200, s0  }
0xba: {  	[tilespmem:s5], [sflag:$0x1] =	stream.linear.gather @!p1 [hbm4b:s0+s1], $0x1000, $0x38;
	[tilespmem:$0x1D000] =	vst v63  }
0xbb: {  	s0 =	simm.s32 @!p0 $0x3  }
0xbc: {  	_ =	swait.ge @!p0 [sflag:s0], $0x1000  }
0xbd: {  	[sflag:s0] =	ssyncset.done @!p0 $0x0  }
0xbe: {  	[sflag:s0] =	ssyncadd.s32 @!p0 $0xFFFFF000  }
0xbf: {  	_ =	swait.ge @!p0 [sflag:s0], $0x1000  }
0xc0: {  	[sflag:s0] =	ssyncset.done @!p0 $0x0  }
0xc1: {  	[sflag:s0] =	ssyncadd.s32 @!p0 $0xFFFFF000  }
0xc2: {  	_ =	swait.ge @!p0 [sflag:s0], $0x1000  }
0xc3: {  	[sflag:s0] =	ssyncset.done @!p0 $0x0  }
0xc4: {  	[sflag:s0] =	ssyncadd.s32 @!p0 $0xFFFFF000  }
0xc5: {  	_ =	swait.ge @!p0 [sflag:s0], $0x1000  }
0xc6: {  	[sflag:s0] =	ssyncset.done @!p0 $0x0  }
0xc7: {  	s31 =	simm.s32 $0x14040;
	[sflag:s0] =	ssyncadd.s32 @!p0 $0xFFFFF000  }
0xc8: {  	v1 =	vld [tilespmem:s31+$0x30]  }
0xc9: {  	v2 =	vld [tilespmem:s31+$0xFFFFFFD0]  }
0xca: {  	v3 =	vld [tilespmem:s31+$0xFFFFFFE0]  }
0xcb: {  	v4 =	vld [tilespmem:s31+$0xFFFFFFF0]  }
0xcc: {  	v5 =	vld [tilespmem:s31+$0x0]  }
0xcd: {  	v6 =	vld [tilespmem:s31+$0x10]  }
0xce: {  	v7 =	vld [tilespmem:s31+$0x20]  }
0xcf: {  	v8 =	vld [tilespmem:s31+$0xFFFFFFC0]  }
0xd0: {  	v9 =	vld.idx.msk [tilespmem:v1+s3+$0x0], $0xffff  }
0xd1: {  	v10 =	vld.idx.msk [tilespmem:v2+s3+$0x0], $0xffff  }
0xd2: {  	v11 =	vld.idx.msk [tilespmem:v3+s3+$0x0], $0xffff  }
0xd3: {  	v12 =	vld.idx.msk [tilespmem:v4+s3+$0x0], $0xffff  }
0xd4: {  	v13 =	vld.idx.msk [tilespmem:v5+s3+$0x0], $0xffff  }
0xd5: {  	s30 =	simm.s32 $0x19100;
	v14 =	vld.idx.msk [tilespmem:v6+s3+$0x0], $0xffff  }
0xd6: {  	v15 =	vld.idx.msk [tilespmem:v7+s3+$0x0], $0xffff;
	[tilespmem:s30+$0xFFFFFF70] =	vst v9  }
0xd7: {  	v50 =	vld.idx.msk [tilespmem:v8+s3+$0x0], $0xffff;
	[tilespmem:s30+$0xFFFFFF10] =	vst v10  }
0xd8: {  	[tilespmem:s30+$0xFFFFFF20] =	vst v11;
	v9 =	vld.idx.msk [tilespmem:v1+s18+$0x0], $0xffff  }
0xd9: {  	[tilespmem:s30+$0xFFFFFF30] =	vst v12;
	v51 =	vld.idx.msk [tilespmem:v2+s18+$0x0], $0xffff  }
0xda: {  	[tilespmem:s30+$0xFFFFFF40] =	vst v13;
	v52 =	vld.idx.msk [tilespmem:v3+s18+$0x0], $0xffff  }
0xdb: {  	[tilespmem:s30+$0xFFFFFF50] =	vst v14;
	v53 =	vld.idx.msk [tilespmem:v4+s18+$0x0], $0xffff  }
0xdc: {  	[tilespmem:s30+$0xFFFFFF60] =	vst v15;
	v54 =	vld.idx.msk [tilespmem:v5+s18+$0x0], $0xffff  }
0xdd: {  	[tilespmem:s30+$0xFFFFFF00] =	vst v50;
	v55 =	vld.idx.msk [tilespmem:v6+s18+$0x0], $0xffff  }
0xde: {  	v10 =	vld.idx.msk [tilespmem:v8+s18+$0x0], $0xffff;
	[tilespmem:s30+$0xFFFFFFF0] =	vst v9  }
0xdf: {  	v56 =	vld.idx.msk [tilespmem:v7+s18+$0x0], $0xffff;
	[tilespmem:s30+$0xFFFFFF90] =	vst v51  }
0xe0: {  	[tilespmem:s30+$0xFFFFFFA0] =	vst v52;
	v9 =	vld.idx.msk [tilespmem:v1+s19+$0x0], $0xffff  }
0xe1: {  	[tilespmem:s30+$0xFFFFFFB0] =	vst v53;
	v57 =	vld.idx.msk [tilespmem:v2+s19+$0x0], $0xffff  }
0xe2: {  	[tilespmem:s30+$0xFFFFFFC0] =	vst v54;
	v58 =	vld.idx.msk [tilespmem:v3+s19+$0x0], $0xffff  }
0xe3: {  	[tilespmem:s30+$0xFFFFFFD0] =	vst v55;
	v59 =	vld.idx.msk [tilespmem:v4+s19+$0x0], $0xffff  }
0xe4: {  	[tilespmem:s30+$0xFFFFFF80] =	vst v10;
	v60 =	vld.idx.msk [tilespmem:v5+s19+$0x0], $0xffff  }
0xe5: {  	[tilespmem:s30+$0xFFFFFFE0] =	vst v56;
	v10 =	vld.idx.msk [tilespmem:v8+s19+$0x0], $0xffff  }
0xe6: {  	v61 =	vld.idx.msk [tilespmem:v6+s19+$0x0], $0xffff;
	[tilespmem:s30+$0x70] =	vst v9  }
0xe7: {  	v62 =	vld.idx.msk [tilespmem:v7+s19+$0x0], $0xffff;
	[tilespmem:s30+$0x10] =	vst v57  }
0xe8: {  	[tilespmem:s30+$0x20] =	vst v58;
	v9 =	vld.idx.msk [tilespmem:v1+s20+$0x0], $0xffff  }
0xe9: {  	[tilespmem:s30+$0x30] =	vst v59;
	v63 =	vld.idx.msk [tilespmem:v2+s20+$0x0], $0xffff  }
0xea: {  	[tilespmem:s30+$0x40] =	vst v60;
	v1 =	vld.idx.msk [tilespmem:v3+s20+$0x0], $0xffff  }
0xeb: {  	[tilespmem:s30+$0x0] =	vst v10;
	v2 =	vld.idx.msk [tilespmem:v4+s20+$0x0], $0xffff  }
0xec: {  	[tilespmem:s30+$0x50] =	vst v61;
	v5 =	vld.idx.msk [tilespmem:v5+s20+$0x0], $0xffff  }
0xed: {  	[tilespmem:s30+$0x60] =	vst v62;
	v3 =	vld.idx.msk [tilespmem:v8+s20+$0x0], $0xffff  }
0xee: {  	v4 =	vld.idx.msk [tilespmem:v6+s20+$0x0], $0xffff;
	[tilespmem:s30+$0xF0] =	vst v9  }
0xef: {  	s1 =	simm.s32 $0x140C0;
	s0 =	simm.s32 $0x0;
	v6 =	vld.idx.msk [tilespmem:v7+s20+$0x0], $0xffff;
	[tilespmem:s30+$0x90] =	vst v63  }
.LBB2_13:
0xf0: {  	v7 =	vld [tilespmem:s1+$0x30];
	s0 =	sadd.s32 $0x8, s0;
	[tilespmem:s30+$0xA0] =	vst v1  }
0xf1: {  	v1 =	vld [tilespmem:s1+$0xFFFFFFD0];
	p0 =	slt.u32 s0, $0xF8;
	[tilespmem:s30+$0xB0] =	vst v2  }
0xf2: {  	v2 =	vld [tilespmem:s1+$0xFFFFFFE0];
	[tilespmem:s30+$0xC0] =	vst v5  }
0xf3: {  	v5 =	vld [tilespmem:s1+$0xFFFFFFF0];
	[tilespmem:s30+$0x80] =	vst v3  }
0xf4: {  	v3 =	vld [tilespmem:s1+$0x0];
	[tilespmem:s30+$0xD0] =	vst v4  }
0xf5: {  	v4 =	vld [tilespmem:s1+$0x10];
	[tilespmem:s30+$0xE0] =	vst v6  }
0xf6: {  	v6 =	vld [tilespmem:s1+$0x20]  }
0xf7: {  	v8 =	vld [tilespmem:s1+$0xFFFFFFC0]  }
0xf8: {  	v9 =	vld.idx.msk [tilespmem:v7+s3+$0x0], $0xffff  }
0xf9: {  	v10 =	vld.idx.msk [tilespmem:v1+s3+$0x0], $0xffff  }
0xfa: {  	v11 =	vld.idx.msk [tilespmem:v2+s3+$0x0], $0xffff  }
0xfb: {  	v12 =	vld.idx.msk [tilespmem:v5+s3+$0x0], $0xffff  }
0xfc: {  	v13 =	vld.idx.msk [tilespmem:v3+s3+$0x0], $0xffff  }
0xfd: {  	s30 =	sadd.s32 $0x200, s30;
	v14 =	vld.idx.msk [tilespmem:v4+s3+$0x0], $0xffff  }
0xfe: {  	v15 =	vld.idx.msk [tilespmem:v6+s3+$0x0], $0xffff;
	[tilespmem:s30+$0xFFFFFF70] =	vst v9  }
0xff: {  	[tilespmem:s30+$0xFFFFFF10] =	vst v10;
	v9 =	vld.idx.msk [tilespmem:v7+s18+$0x0], $0xffff  }
0x100: {  	v10 =	vld.idx.msk [tilespmem:v8+s3+$0x0], $0xffff;
	[tilespmem:s30+$0xFFFFFF20] =	vst v11  }
0x101: {  	v11 =	vld.idx.msk [tilespmem:v1+s18+$0x0], $0xffff;
	[tilespmem:s30+$0xFFFFFF30] =	vst v12  }
0x102: {  	v12 =	vld.idx.msk [tilespmem:v2+s18+$0x0], $0xffff;
	[tilespmem:s30+$0xFFFFFF40] =	vst v13  }
0x103: {  	v13 =	vld.idx.msk [tilespmem:v5+s18+$0x0], $0xffff;
	[tilespmem:s30+$0xFFFFFF50] =	vst v14  }
0x104: {  	v14 =	vld.idx.msk [tilespmem:v3+s18+$0x0], $0xffff;
	[tilespmem:s30+$0xFFFFFF60] =	vst v15  }
0x105: {  	v15 =	vld.idx.msk [tilespmem:v4+s18+$0x0], $0xffff;
	[tilespmem:s30+$0xFFFFFFF0] =	vst v9  }
0x106: {  	[tilespmem:s30+$0xFFFFFF00] =	vst v10;
	v9 =	vld.idx.msk [tilespmem:v7+s19+$0x0], $0xffff  }
0x107: {  	v10 =	vld.idx.msk [tilespmem:v8+s18+$0x0], $0xffff;
	[tilespmem:s30+$0xFFFFFF90] =	vst v11  }
0x108: {  	[tilespmem:s30+$0xFFFFFFA0] =	vst v12;
	v11 =	vld.idx.msk [tilespmem:v6+s18+$0x0], $0xffff  }
0x109: {  	v12 =	vld.idx.msk [tilespmem:v1+s19+$0x0], $0xffff;
	[tilespmem:s30+$0xFFFFFFB0] =	vst v13  }
0x10a: {  	v13 =	vld.idx.msk [tilespmem:v2+s19+$0x0], $0xffff;
	[tilespmem:s30+$0xFFFFFFC0] =	vst v14  }
0x10b: {  	v14 =	vld.idx.msk [tilespmem:v5+s19+$0x0], $0xffff;
	[tilespmem:s30+$0xFFFFFFD0] =	vst v15  }
0x10c: {  	v15 =	vld.idx.msk [tilespmem:v3+s19+$0x0], $0xffff;
	[tilespmem:s30+$0x70] =	vst v9  }
0x10d: {  	[tilespmem:s30+$0xFFFFFF80] =	vst v10;
	v7 =	vld.idx.msk [tilespmem:v7+s20+$0x0], $0xffff  }
0x10e: {  	v9 =	vld.idx.msk [tilespmem:v8+s19+$0x0], $0xffff;
	[tilespmem:s30+$0xFFFFFFE0] =	vst v11  }
0x10f: {  	[tilespmem:s30+$0x10] =	vst v12;
	v10 =	vld.idx.msk [tilespmem:v4+s19+$0x0], $0xffff  }
0x110: {  	[tilespmem:s30+$0x20] =	vst v13;
	v11 =	vld.idx.msk [tilespmem:v6+s19+$0x0], $0xffff  }
0x111: {  	v12 =	vld.idx.msk [tilespmem:v1+s20+$0x0], $0xffff;
	[tilespmem:s30+$0x30] =	vst v14  }
0x112: {  	v1 =	vld.idx.msk [tilespmem:v2+s20+$0x0], $0xffff;
	[tilespmem:s30+$0x40] =	vst v15  }
.Ltmp5:
0x113: {  	v2 =	vld.idx.msk [tilespmem:v5+s20+$0x0], $0xffff;
	[tilespmem:s30+$0xF0] =	vst v7;
	(pc) =	sbr.rel @p0 .LBB2_13-.Ltmp5, $4  }
0x114: {  	[tilespmem:s30+$0x0] =	vst v9;
	v5 =	vld.idx.msk [tilespmem:v3+s20+$0x0], $0xffff  }
0x115: {  	v3 =	vld.idx.msk [tilespmem:v8+s20+$0x0], $0xffff;
	[tilespmem:s30+$0x50] =	vst v10  }
0x116: {  	v4 =	vld.idx.msk [tilespmem:v4+s20+$0x0], $0xffff;
	[tilespmem:s30+$0x60] =	vst v11  }
0x117: {  	s1 =	sadd.s32 $0x80, s1;
	[tilespmem:s30+$0x90] =	vst v12;
	v6 =	vld.idx.msk [tilespmem:v6+s20+$0x0], $0xffff  }
0x118: {  	[tilespmem:s30+$0xA0] =	vst v1  }
0x119: {  	[tilespmem:s30+$0xB0] =	vst v2  }
0x11a: {  	s0 =	sor.u32 s12, s29;
	[tilespmem:s30+$0xC0] =	vst v5  }
0x11b: {  	s0 =	sshrl.u32 s0, $0x3;
	[tilespmem:s30+$0x80] =	vst v3  }
0x11c: {  	s1 =	simm.s32 $0x19000;
	s0 =	sadd.s32 s2, s0;
	[tilespmem:s30+$0xD0] =	vst v4  }
0x11d: {  	s21 =	simm.s32 $0x19200;
	s5 =	sadd.s32 $0x0, s0;
	[tilespmem:s30+$0xE0] =	vst v6;
	s30 =	simm.s32 $0x10  }
.LBB2_15:
0x11e: {  	[hbm4b:s5+s3] =	stream.linear.scatter [tilespmem:s1], [sflag:$0x3], $0x80, $0x38;
	[tilespmem:$0x1D000] =	vst v63  }
0x11f: {  	s5 =	smov.u32 s30;
	s1 =	smov.u32 s21;
	p0 =	sne.s32 s30, $0x1F0  }
.Ltmp6:
0x120: {  	s30 =	sadd.s32 $0x10, s30;
	(pc) =	sbr.rel @p0 .LBB2_15-.Ltmp6, $2  }
0x121: {  	_ =	sdelay $0x2  }
0x122: {  	s21 =	sadd.s32 $0x200, s21;
	s5 =	sadd.s32 s5, s0  }
0x123: {  	[hbm4b:s5+s3] =	stream.linear.scatter [tilespmem:s1], [sflag:$0x3], $0x80, $0x38;
	[tilespmem:$0x1D000] =	vst v63  }
0x124: {  	s0 =	sor.u32 s13, s29  }
0x125: {  	s0 =	sshrl.u32 s0, $0x3  }
0x126: {  	s1 =	simm.s32 $0x19080;
	s0 =	sadd.s32 s2, s0  }
0x127: {  	s30 =	simm.s32 $0x10;
	s21 =	simm.s32 $0x19280;
	s5 =	sadd.s32 $0x0, s0  }
.LBB2_17:
0x128: {  	[hbm4b:s5+s3] =	stream.linear.scatter [tilespmem:s1], [sflag:$0x3], $0x80, $0x38;
	[tilespmem:$0x1D000] =	vst v63  }
0x129: {  	s5 =	smov.u32 s30;
	s1 =	smov.u32 s21;
	p0 =	sne.s32 s30, $0x1F0  }
.Ltmp7:
0x12a: {  	s30 =	sadd.s32 $0x10, s30;
	(pc) =	sbr.rel @p0 .LBB2_17-.Ltmp7, $2  }
0x12b: {  	_ =	sdelay $0x2  }
0x12c: {  	s21 =	sadd.s32 $0x200, s21;
	s5 =	sadd.s32 s5, s0  }
0x12d: {  	[hbm4b:s5+s3] =	stream.linear.scatter [tilespmem:s1], [sflag:$0x3], $0x80, $0x38;
	[tilespmem:$0x1D000] =	vst v63  }
0x12e: {  	s0 =	sor.u32 s14, s29  }
0x12f: {  	s0 =	sshrl.u32 s0, $0x3  }
0x130: {  	s1 =	simm.s32 $0x19100;
	s0 =	sadd.s32 s2, s0  }
0x131: {  	s30 =	simm.s32 $0x10;
	s21 =	simm.s32 $0x19300;
	s5 =	sadd.s32 $0x0, s0  }
.LBB2_19:
0x132: {  	[hbm4b:s5+s3] =	stream.linear.scatter [tilespmem:s1], [sflag:$0x3], $0x80, $0x38;
	[tilespmem:$0x1D000] =	vst v63  }
0x133: {  	s5 =	smov.u32 s30;
	s1 =	smov.u32 s21;
	p0 =	sne.s32 s30, $0x1F0  }
.Ltmp8:
0x134: {  	s30 =	sadd.s32 $0x10, s30;
	(pc) =	sbr.rel @p0 .LBB2_19-.Ltmp8, $2  }
0x135: {  	_ =	sdelay $0x2  }
0x136: {  	s21 =	sadd.s32 $0x200, s21;
	s5 =	sadd.s32 s5, s0  }
0x137: {  	[hbm4b:s5+s3] =	stream.linear.scatter [tilespmem:s1], [sflag:$0x3], $0x80, $0x38;
	[tilespmem:$0x1D000] =	vst v63  }
0x138: {  	s0 =	sor.u32 s15, s29  }
0x139: {  	s0 =	sshrl.u32 s0, $0x3  }
0x13a: {  	s1 =	simm.s32 $0x19180;
	s0 =	sadd.s32 s2, s0  }
0x13b: {  	s29 =	simm.s32 $0x10;
	s21 =	simm.s32 $0x19380;
	s5 =	sadd.s32 $0x0, s0  }
.LBB2_21:
0x13c: {  	[hbm4b:s5+s3] =	stream.linear.scatter [tilespmem:s1], [sflag:$0x3], $0x80, $0x38;
	[tilespmem:$0x1D000] =	vst v63  }
0x13d: {  	s5 =	smov.u32 s29;
	s1 =	smov.u32 s21;
	p0 =	sne.s32 s29, $0x1F0  }
.Ltmp9:
0x13e: {  	s29 =	sadd.s32 $0x10, s29;
	(pc) =	sbr.rel @p0 .LBB2_21-.Ltmp9, $2  }
0x13f: {  	_ =	sdelay $0x2  }
0x140: {  	s21 =	sadd.s32 $0x200, s21;
	s5 =	sadd.s32 s5, s0  }
0x141: {  	s28 =	sadd.s32 $0x1, s28  }
0x142: {  	p0 =	sne.s32 s28, $0x20  }
.Ltmp10:
0x143: {  	_ = 	snop;
	(pc) =	sbr.rel @p0 .LBB2_2-.Ltmp10, $2  }
0x144: {  	_ =	sdelay $0x2  }
0x145: {  	[hbm4b:s5+s3] =	stream.linear.scatter [tilespmem:s1], [sflag:$0x3], $0x80, $0x38;
	[tilespmem:$0x1D000] =	vst v63  }
0x146: {  	_ =	swait.ge [sflag:s24], $0x1000  }
0x147: {  	[sflag:s24] =	ssyncset.done $0x0  }
0x148: {  	[sflag:s24] =	ssyncadd.s32 $0xFFFFF000  }
0x149: {  	_ =	swait.ge [sflag:s24], $0x1000  }
0x14a: {  	[sflag:s24] =	ssyncset.done $0x0  }
0x14b: {  	[sflag:s24] =	ssyncadd.s32 $0xFFFFF000  }
0x14c: {  	_ =	swait.ge [sflag:s24], $0x1000  }
0x14d: {  	[sflag:s24] =	ssyncset.done $0x0  }
0x14e: {  	[sflag:s24] =	ssyncadd.s32 $0xFFFFF000  }
0x14f: {  	_ =	swait.ge [sflag:s24], $0x1000  }
0x150: {  	[sflag:s24] =	ssyncset.done $0x0  }
0x151: {  	[sflag:s24] =	ssyncadd.s32 $0xFFFFF000  }
0x152: {  	_ =	swait.ge [sflag:s25], $0x1000  }
0x153: {  	[sflag:s25] =	ssyncset.done $0x0  }
0x154: {  	[sflag:s25] =	ssyncadd.s32 $0xFFFFF000  }
0x155: {  	_ =	swait.ge [sflag:s25], $0x1000  }
0x156: {  	[sflag:s25] =	ssyncset.done $0x0  }
0x157: {  	s26 =	sadd.s32 $0x1, s26;
	[sflag:s25] =	ssyncadd.s32 $0xFFFFF000  }
0x158: {  	p0 =	sne.s32 s26, s16;
	_ =	swait.ge [sflag:s25], $0x1000  }
.Ltmp11:
0x159: {  	[sflag:s25] =	ssyncset.done $0x0;
	(pc) =	sbr.rel @p0 .LBB2_1-.Ltmp11, $4  }
0x15a: {  	[sflag:s25] =	ssyncadd.s32 $0xFFFFF000  }
0x15b: {  	_ =	swait.ge [sflag:s25], $0x1000  }
0x15c: {  	[sflag:s25] =	ssyncset.done $0x0  }
0x15d: {  	[sflag:s25] =	ssyncadd.s32 $0xFFFFF000  }
0x15e: {  	_ =	sfence.sel $0x180000  }
0x15f: {  	[bflag:$0x0] =	sbarrier.arrive $0xFFFF  }
0x160: {  	_ =	strace $0x90000047  }
0x161: {  	s0 =	stileid.u32;
	[bflag:$0x2] =	sbarrier.arrive $0xFFFF  }
0x162: {  	p0 =	sne.s32 s0, $0x0;
	s0 =	rddreg [dreg:$0x2]  }
0x163: {  	s0 =	sadd.s32 @!p0 $0x100000, s0  }
0x164: {  	[sflag:s0] =	ssyncadd.tile.s32 @!p0 $0x1;
	_ =	shalt  }
.Lfunc_end2:
_tile_overlayer_lowered:
.L_overlay_start_2:
0x165: {  	(tag) =	ssettag $0x2  }
0x166: {  	s0 =	rddreg [dreg:$0x0];
	s2 =	stileid.u32  }
0x167: {  	s1 =	rddreg [dreg:$0x1];
	p0 =	sne.s32 s2, $0x0  }
0x168: {  	s3 =	rddreg [dreg:$0x2];
	[bflag:$0x3] =	sbarrier.arrive $0xFFFF;
	s2 =	simm.s32 @!p0 $0x1C04  }
0x169: {  	[timem:s3], [sflag:s2] =	dma.local @!p0 [hbm:s0], s1  }
0x16a: {  	s0 =	simm.s32 @!p0 $0x4  }
0x16b: {  	_ =	swait.ge @!p0 [sflag:s0], s1  }
0x16c: {  	s1 =	ssub.s32 @!p0 $0x0, s1;
	[sflag:s0] =	ssyncset.done @!p0 $0x0  }
0x16d: {  	[sflag:s0] =	ssyncadd.s32 @!p0 s1  }
0x16e: {  	[bflag:$0x3] =	sbarrier.arrive $0xFFFF  }
0x16f: {  	_ =	shalt  }

</sc_bundles>
